<compile_context>
chip_gen: v7x
topology: tpu7x:2x2x1
jax: 0.10.2.dev20260603
libtpu: 0.0.44.dev20260713+nightly
codegen_flags: <defaults>
</compile_context>

<pallas_src>
import functools

import jax
import jax.numpy as jnp
from jax import lax
from jax.experimental import pallas as pl
from jax.experimental.pallas import tpu as pltpu
from jax.experimental.pallas import tpu_sc as plsc

B = 16
MAX_LEN = 4096
D = 1024
N_TOK = 32768
NW = 32
RPW = (B * MAX_LEN) // NW
C = 48
ZC = 16
ZRING = 4


def _body(embed_hbm, imgf_hbm, tsrc_hbm, tdst_hbm, isrc_hbm, idst_hbm,
          meta_hbm, out_hbm, meta_v, ia0, id0, ia1, id1, rows0, rows1, zbuf,
          semz, semg0, semg1, sems0, sems1):
    cid = lax.axis_index("c")
    sid = lax.axis_index("s")
    wid = sid * 2 + cid
    r0 = wid * RPW

    pltpu.sync_copy(meta_hbm, meta_v)
    mvec = meta_v[pl.ds(wid * 16, 16)]
    t_lo = mvec[0]
    t_hi = mvec[1]
    i_lo = mvec[2]
    i_hi = mvec[3]
    pad_off = mvec[4]

    def zfill(k, carry):
        row = k // 8
        col0 = (k % 8) * 128
        for u in range(8):
            zbuf[row, pl.ds(col0 + u * 16, 16)] = jnp.zeros((16,), jnp.float32)
        return carry

    lax.fori_loop(0, (ZC * D) // 128, zfill, 0)

    p8 = (pad_off // 8) * 8
    nz = RPW - p8
    nfull = nz // ZC

    def zdrain():
        pltpu.make_async_copy(out_hbm.at[pl.ds(r0, ZC)], zbuf, semz).wait()

    def zchunk(j, carry):
        start = r0 + RPW - (j + 1) * ZC
        pltpu.async_copy(zbuf, out_hbm.at[pl.ds(start, ZC)], semz)

        @pl.when(j >= ZRING)
        def _():
            zdrain()

        return carry

    lax.fori_loop(0, nfull, zchunk, 0)

    def zdrain_loop(j, carry):
        zdrain()
        return carry

    lax.fori_loop(0, jnp.minimum(nfull, ZRING), zdrain_loop, 0)

    h = nz - nfull * ZC

    @pl.when(h == 8)
    def _():
        pltpu.sync_copy(zbuf.at[pl.ds(0, 8)], out_hbm.at[pl.ds(r0 + p8, 8)])

    def gather_scatter(lo, hi, src_hbm, dst_hbm, table_hbm):
        lo8 = (lo // 8) * 8
        n = hi - lo8
        nch = (n + C - 1) // C

        def chunk(c, ia, idd, rows, semg, sems_):
            @pl.when(c < nch)
            def _():
                @pl.when(c >= 2)
                def _():
                    pltpu.make_async_copy(out_hbm.at[pl.ds(r0, C)], rows,
                                          sems_).wait()

                off = jnp.minimum(lo8 + c * C, N_TOK - C)
                pltpu.sync_copy(src_hbm.at[pl.ds(off, C)], ia)
                pltpu.sync_copy(dst_hbm.at[pl.ds(off, C)], idd)
                pltpu.async_copy(table_hbm.at[ia], rows, semg).wait()
                pltpu.async_copy(rows, out_hbm.at[idd], sems_)

        def pair(c2, carry):
            chunk(2 * c2, ia0, id0, rows0, semg0, sems0)
            chunk(2 * c2 + 1, ia1, id1, rows1, semg1, sems1)
            return carry

        lax.fori_loop(0, (nch + 1) // 2, pair, 0)

        @pl.when(nch >= 1)
        def _():
            pltpu.make_async_copy(out_hbm.at[pl.ds(r0, C)], rows0, sems0).wait()

        @pl.when(nch >= 2)
        def _():
            pltpu.make_async_copy(out_hbm.at[pl.ds(r0, C)], rows1, sems1).wait()

    gather_scatter(t_lo, t_hi, tsrc_hbm, tdst_hbm, embed_hbm)
    gather_scatter(i_lo, i_hi, isrc_hbm, idst_hbm, imgf_hbm)


def kernel(input_ids, image_mask, segment_ids, image_features, embed_table):
    ids = input_ids.astype(jnp.int32)
    seg = segment_ids.astype(jnp.int32)
    mask = image_mask.astype(jnp.int32)
    is_img = mask.astype(bool)
    ar = jnp.arange(N_TOK, dtype=jnp.int32)

    ipos = jnp.cumsum(mask, dtype=jnp.int32) - 1
    img_row = jnp.clip(ipos, 0, image_features.shape[0] - 1)
    starts = jnp.searchsorted(seg, jnp.arange(B, dtype=jnp.int32)).astype(jnp.int32)
    pos = jnp.clip(ar - starts[seg], 0, MAX_LEN - 1)
    dst = seg * MAX_LEN + pos

    tmask = 1 - mask
    tpos = jnp.cumsum(tmask, dtype=jnp.int32) - 1
    n_t = tpos[-1] + 1
    n_i = ipos[-1] + 1
    t_at = jnp.where(is_img, N_TOK, tpos)
    i_at = jnp.where(is_img, ipos, N_TOK)
    z = jnp.zeros(N_TOK + 1, jnp.int32)
    t_src = z.at[t_at].set(ids)[:N_TOK]
    t_dst = z.at[t_at].set(dst)[:N_TOK]
    i_src = z.at[i_at].set(img_row)[:N_TOK]
    i_dst = z.at[i_at].set(dst)[:N_TOK]

    t_last = jnp.clip(n_t - 1, 0, N_TOK - 1)
    i_last = jnp.clip(n_i - 1, 0, N_TOK - 1)
    t_src = jnp.where(ar < n_t, t_src, t_src[t_last])
    t_dst = jnp.where(ar < n_t, t_dst, t_dst[t_last])
    i_src = jnp.where(ar < n_i, i_src, i_src[i_last])
    i_dst = jnp.where(ar < n_i, i_dst, i_dst[i_last])

    r0s = jnp.arange(NW + 1, dtype=jnp.int32) * RPW
    t_bnd = jnp.minimum(jnp.searchsorted(t_dst, r0s), n_t).astype(jnp.int32)
    i_bnd = jnp.minimum(jnp.searchsorted(i_dst, r0s), n_i).astype(jnp.int32)
    lens = jnp.diff(jnp.append(starts, jnp.int32(N_TOK)))
    w = jnp.arange(NW, dtype=jnp.int32)
    pad_off = jnp.clip(lens[w // 2] - (w % 2) * RPW, 0, RPW).astype(jnp.int32)

    meta = jnp.zeros((NW, 16), jnp.int32)
    meta = (meta.at[:, 0].set(t_bnd[:-1]).at[:, 1].set(t_bnd[1:])
                .at[:, 2].set(i_bnd[:-1]).at[:, 3].set(i_bnd[1:])
                .at[:, 4].set(pad_off)).reshape(-1)

    mesh = plsc.VectorSubcoreMesh(core_axis_name="c", subcore_axis_name="s")
    run = functools.partial(
        pl.kernel,
        mesh=mesh,
        out_type=jax.ShapeDtypeStruct((B * MAX_LEN, D), jnp.float32),
        scratch_types=[
            pltpu.VMEM((NW * 16,), jnp.int32),
            pltpu.VMEM((C,), jnp.int32),
            pltpu.VMEM((C,), jnp.int32),
            pltpu.VMEM((C,), jnp.int32),
            pltpu.VMEM((C,), jnp.int32),
            pltpu.VMEM((C, D), jnp.float32),
            pltpu.VMEM((C, D), jnp.float32),
            pltpu.VMEM((ZC, D), jnp.float32),
            pltpu.SemaphoreType.DMA,
            pltpu.SemaphoreType.DMA,
            pltpu.SemaphoreType.DMA,
            pltpu.SemaphoreType.DMA,
            pltpu.SemaphoreType.DMA,
        ],
    )(_body)
    out = run(embed_table, image_features, t_src, t_dst, i_src, i_dst, meta)

    padded = out.reshape(B, MAX_LEN, D)
    attn = jnp.arange(MAX_LEN, dtype=jnp.int32)[None, :] < jnp.minimum(lens, MAX_LEN)[:, None]
    return padded, attn

# --- scband reference (transcript-rebuilt; emitter-appended) ---
"""Pipeline reference for scband-spatial-vlmencoder-79645873537512 (READ-ONLY COPY).

The authoritative reference and input builder live on the scoring server;
editing this copy changes nothing except your own understanding.
"""

import jax, jax.numpy as jnp
import numpy as np

B = 16
MAX_LEN = 4096
TOTAL_TOK = 32768
D = 1024
VOCAB = 32000
N_IMG = 8192

def setup_inputs(seed: int = 0) -> dict:
    key = jax.random.key(seed)
    k1, k2, k3, k4, k5 = jax.random.split(key, 5)
    input_ids = jax.random.randint(k1, (TOTAL_TOK,), 0, VOCAB, dtype=jnp.int64)
    image_mask = jax.random.randint(k2, (TOTAL_TOK,), 0, 2, dtype=jnp.int32)
    segment_ids = jnp.sort(jax.random.randint(k3, (TOTAL_TOK,), 0, B, dtype=jnp.int64))
    image_features = jax.random.normal(k4, (N_IMG, D), dtype=jnp.float32)
    embed_table = jax.random.normal(k5, (VOCAB, D), dtype=jnp.float32) * 0.02
    return {"input_ids": input_ids, "image_mask": image_mask, "segment_ids": segment_ids,
            "image_features": image_features, "embed_table": embed_table}

def reference(input_ids, image_mask, segment_ids, image_features, embed_table):
    # Faithful core of SpatialVLMEncoder's multimodal merge (override):
    # text tokens are embedded via the LM embed_tokens table; image-token
    # placeholders are replaced by vision-tower image features in order of
    # appearance; the ragged per-sample sequences are then padded (right-pad)
    # into a dense [B, max_len, d] batch with an attention mask.
    N = input_ids.shape[0]
    tok_embeds = jnp.take(embed_table, input_ids, axis=0)
    is_img = image_mask.astype(bool)
    # sequential image-feature index (cur_image_idx walk over image tokens)
    img_idx = jnp.clip(jnp.cumsum(is_img.astype(jnp.int32)) - 1, 0, image_features.shape[0] - 1)
    img_embeds = jnp.take(image_features, img_idx, axis=0)
    merged = jnp.where(is_img[:, None], img_embeds, tok_embeds)
    # ragged -> padded: position of each token within its segment
    starts = jnp.searchsorted(segment_ids, jnp.arange(B, dtype=segment_ids.dtype))
    pos = jnp.arange(N) - starts[segment_ids]
    pos = jnp.clip(pos, 0, MAX_LEN - 1)  # truncate to tokenizer_model_max_length
    padded = jnp.zeros((B, MAX_LEN, merged.shape[1]), merged.dtype).at[segment_ids, pos].set(merged)
    attention_mask = jnp.zeros((B, MAX_LEN), jnp.bool_).at[segment_ids, pos].set(True)
    return padded, attention_mask

if __name__ == "__main__":
    import jax
    _d = setup_inputs()
    print(jax.jit(kernel)(*tuple(_d.values())))

</pallas_src>

<mosaic_0001>
#map = affine_map<(d0, d1) -> (0, 0)>
#map1 = affine_map<(d0, d1) -> (0)>
module attributes {stable_mosaic.version = 14 : i64} {
  func.func @_body(%arg0: i32, %arg1: i32, %arg2: memref<32000x1024xf32, #tpu.memory_space<hbm>>, %arg3: memref<8192x1024xf32, #tpu.memory_space<hbm>>, %arg4: memref<32768xi32, #tpu.memory_space<hbm>>, %arg5: memref<32768xi32, #tpu.memory_space<hbm>>, %arg6: memref<32768xi32, #tpu.memory_space<hbm>>, %arg7: memref<32768xi32, #tpu.memory_space<hbm>>, %arg8: memref<512xi32, #tpu.memory_space<hbm>>, %arg9: memref<65536x1024xf32, #tpu.memory_space<hbm>>, %arg10: memref<512xi32, #tpu.memory_space<vmem>>, %arg11: memref<48xi32, #tpu.memory_space<vmem>>, %arg12: memref<48xi32, #tpu.memory_space<vmem>>, %arg13: memref<48xi32, #tpu.memory_space<vmem>>, %arg14: memref<48xi32, #tpu.memory_space<vmem>>, %arg15: memref<48x1024xf32, #tpu.memory_space<vmem>>, %arg16: memref<48x1024xf32, #tpu.memory_space<vmem>>, %arg17: memref<16x1024xf32, #tpu.memory_space<vmem>>, %arg18: memref<!tpu.dma_semaphore, #tpu.memory_space<semaphore_mem>>, %arg19: memref<!tpu.dma_semaphore, #tpu.memory_space<semaphore_mem>>, %arg20: memref<!tpu.dma_semaphore, #tpu.memory_space<semaphore_mem>>, %arg21: memref<!tpu.dma_semaphore, #tpu.memory_space<semaphore_mem>>, %arg22: memref<!tpu.dma_semaphore, #tpu.memory_space<semaphore_mem>>) attributes {dimension_semantics = [#tpu.dimension_semantics<core_parallel>, #tpu.dimension_semantics<subcore_parallel>], iteration_bounds = array<i64: 2, 16>, scalar_prefetch = 0 : i64, scratch_operands = 13 : i64, tpu.core_type = #tpu.core_type<sc_vector_subcore>, window_params = [{transform_indices = #map}, {transform_indices = #map}, {transform_indices = #map1}, {transform_indices = #map1}, {transform_indices = #map1}, {transform_indices = #map1}, {transform_indices = #map1}, {transform_indices = #map}]} {
    %mul3A = arith.constant 2 : i32
    %mul3A_0 = arith.muli %arg1, %mul3A : i32
    %add3A = arith.addi %mul3A_0, %arg0 : i32
    %mul3A_1 = arith.constant 2048 : i32
    %mul3A_2 = arith.muli %add3A, %mul3A_1 : i32
    "tpu.region"() ({
      %run_scoped3A = tpu.sem_alloc : memref<!tpu.dma_semaphore, #tpu.memory_space<semaphore_mem>>
      tpu.enqueue_dma source(%arg8 : memref<512xi32, #tpu.memory_space<hbm>>) target(%arg10 : memref<512xi32, #tpu.memory_space<vmem>>) target_semaphore(%run_scoped3A : memref<!tpu.dma_semaphore, #tpu.memory_space<semaphore_mem>>)
      tpu.wait_dma2 semaphore(%run_scoped3A : memref<!tpu.dma_semaphore, #tpu.memory_space<semaphore_mem>>) src(%arg8 : memref<512xi32, #tpu.memory_space<hbm>>) dst(%arg10 : memref<512xi32, #tpu.memory_space<vmem>>)
      tpu.yield
    }) : () -> ()
    %mul3A_3 = arith.constant 16 : i32
    %mul3A_4 = arith.muli %add3A, %mul3A_3 : i32
    %get3A = arith.index_cast %mul3A_4 : i32 to index
    %get3A_5 = tpu.vector_load %arg10[%get3A] {strides = array<i32>} : memref<512xi32, #tpu.memory_space<vmem>>, vector<16xi32>,
    %get3A_6 = vector.shape_cast %get3A_5 : vector<16xi32> to vector<16xi32>
    %slice3A = vector.extract_strided_slice %get3A_6 {offsets = [0], sizes = [1], strides = [1]} : vector<16xi32> to vector<1xi32>
    %squeeze3A = vector.extract %slice3A[0] : i32 from vector<1xi32>
    %slice3A_7 = vector.extract_strided_slice %get3A_6 {offsets = [1], sizes = [1], strides = [1]} : vector<16xi32> to vector<1xi32>
    %squeeze3A_8 = vector.extract %slice3A_7[0] : i32 from vector<1xi32>
    %slice3A_9 = vector.extract_strided_slice %get3A_6 {offsets = [2], sizes = [1], strides = [1]} : vector<16xi32> to vector<1xi32>
    %squeeze3A_10 = vector.extract %slice3A_9[0] : i32 from vector<1xi32>
    %slice3A_11 = vector.extract_strided_slice %get3A_6 {offsets = [3], sizes = [1], strides = [1]} : vector<16xi32> to vector<1xi32>
    %squeeze3A_12 = vector.extract %slice3A_11[0] : i32 from vector<1xi32>
    %slice3A_13 = vector.extract_strided_slice %get3A_6 {offsets = [4], sizes = [1], strides = [1]} : vector<16xi32> to vector<1xi32>
    %squeeze3A_14 = vector.extract %slice3A_13[0] : i32 from vector<1xi32>
    %scan3A = arith.constant 0 : i32
    %scan3A_15 = arith.constant 0 : i32
    %scan3A_16 = arith.constant 128 : i32
    %scan3A_17 = arith.addi %scan3A_15, %scan3A_16 : i32
    %scan3A_18 = arith.constant 1 : i32
    scf.for %scan3A_290 = %scan3A_15 to %scan3A_17 step %scan3A_18  : i32 {
      %jit3A_291 = arith.constant 8 : i32
      %div3A_292 = arith.divsi %scan3A_290, %jit3A_291 : i32
      %sign3A_293 = arith.constant 0 : i32
      %sign3A_294 = arith.cmpi sgt, %scan3A_290, %sign3A_293 : i32
      %sign3A_295 = arith.extui %sign3A_294 : i1 to i32
      %sign3A_296 = arith.constant 0 : i32
      %sign3A_297 = arith.cmpi slt, %scan3A_290, %sign3A_296 : i32
      %sign3A_298 = arith.extui %sign3A_297 : i1 to i32
      %sign3A_299 = arith.subi %sign3A_295, %sign3A_298 : i32
      %sign3A_300 = arith.constant 0 : i32
      %sign3A_301 = arith.cmpi sgt, %jit3A_291, %sign3A_300 : i32
      %sign3A_302 = arith.extui %sign3A_301 : i1 to i32
      %sign3A_303 = arith.constant 0 : i32
      %sign3A_304 = arith.cmpi slt, %jit3A_291, %sign3A_303 : i32
      %sign3A_305 = arith.extui %sign3A_304 : i1 to i32
      %sign3A_306 = arith.subi %sign3A_302, %sign3A_305 : i32
      %ne3A_307 = arith.cmpi ne, %sign3A_299, %sign3A_306 : i32
      %rem3A_308 = arith.remsi %scan3A_290, %jit3A_291 : i32
      %ne3A_309 = arith.constant 0 : i32
      %ne3A_310 = arith.cmpi ne, %rem3A_308, %ne3A_309 : i32
      %and3A_311 = arith.andi %ne3A_307, %ne3A_310 : i1
      %sub3A_312 = arith.constant 1 : i32
      %sub3A_313 = arith.subi %div3A_292, %sub3A_312 : i32
      %select_n3A_314 = arith.select %and3A_311, %sub3A_313, %div3A_292 : i32
      %jit3A_315 = arith.constant 8 : i32
      %eq3A_316 = arith.constant 0 : i32
      %eq3A_317 = arith.cmpi eq, %jit3A_315, %eq3A_316 : i32
      %jit3A_318 = arith.constant 1 : i32
      %select_n3A_319 = arith.select %eq3A_317, %jit3A_318, %jit3A_315 : i32
      %rem3A_320 = arith.remsi %scan3A_290, %select_n3A_319 : i32
      %ne3A_321 = arith.constant 0 : i32
      %ne3A_322 = arith.cmpi ne, %rem3A_320, %ne3A_321 : i32
      %lt3A = arith.constant 0 : i32
      %lt3A_323 = arith.cmpi slt, %rem3A_320, %lt3A : i32
      %lt3A_324 = arith.constant 0 : i32
      %lt3A_325 = arith.cmpi slt, %select_n3A_319, %lt3A_324 : i32
      %ne3A_326 = arith.xori %lt3A_323, %lt3A_325 : i1
      %and3A_327 = arith.andi %ne3A_326, %ne3A_322 : i1
      %add3A_328 = arith.addi %rem3A_320, %select_n3A_319 : i32
      %select_n3A_329 = arith.select %and3A_327, %add3A_328, %rem3A_320 : i32
      %mul3A_330 = arith.constant 128 : i32
      %mul3A_331 = arith.muli %select_n3A_329, %mul3A_330 : i32
      %broadcast_in_dim3A = arith.constant 0.000000e+00 : f32
      %broadcast_in_dim3A_332 = vector.broadcast %broadcast_in_dim3A : f32 to vector<16xf32>
      %add3A_333 = arith.constant 0 : i32
      %add3A_334 = arith.addi %mul3A_331, %add3A_333 : i32
      %swap3A = arith.index_cast %select_n3A_314 : i32 to index
      %swap3A_335 = arith.index_cast %add3A_334 : i32 to index
      %swap3A_336 = tpu.vector_load %arg17[%swap3A, %swap3A_335] {strides = array<i32>} : memref<16x1024xf32, #tpu.memory_space<vmem>>, vector<1x16xf32>,
      %swap3A_337 = vector.shape_cast %swap3A_336 : vector<1x16xf32> to vector<16xf32>
      %swap3A_338 = vector.shape_cast %broadcast_in_dim3A_332 : vector<16xf32> to vector<1x16xf32>
      tpu.vector_store %arg17[%swap3A, %swap3A_335], %swap3A_338 {strides = array<i32>} : memref<16x1024xf32, #tpu.memory_space<vmem>>, vector<1x16xf32>,
      %broadcast_in_dim3A_339 = arith.constant 0.000000e+00 : f32
      %broadcast_in_dim3A_340 = vector.broadcast %broadcast_in_dim3A_339 : f32 to vector<16xf32>
      %add3A_341 = arith.constant 16 : i32
      %add3A_342 = arith.addi %mul3A_331, %add3A_341 : i32
      %swap3A_343 = arith.index_cast %select_n3A_314 : i32 to index
      %swap3A_344 = arith.index_cast %add3A_342 : i32 to index
      %swap3A_345 = tpu.vector_load %arg17[%swap3A_343, %swap3A_344] {strides = array<i32>} : memref<16x1024xf32, #tpu.memory_space<vmem>>, vector<1x16xf32>,
      %swap3A_346 = vector.shape_cast %swap3A_345 : vector<1x16xf32> to vector<16xf32>
      %swap3A_347 = vector.shape_cast %broadcast_in_dim3A_340 : vector<16xf32> to vector<1x16xf32>
      tpu.vector_store %arg17[%swap3A_343, %swap3A_344], %swap3A_347 {strides = array<i32>} : memref<16x1024xf32, #tpu.memory_space<vmem>>, vector<1x16xf32>,
      %broadcast_in_dim3A_348 = arith.constant 0.000000e+00 : f32
      %broadcast_in_dim3A_349 = vector.broadcast %broadcast_in_dim3A_348 : f32 to vector<16xf32>
      %add3A_350 = arith.constant 32 : i32
      %add3A_351 = arith.addi %mul3A_331, %add3A_350 : i32
      %swap3A_352 = arith.index_cast %select_n3A_314 : i32 to index
      %swap3A_353 = arith.index_cast %add3A_351 : i32 to index
      %swap3A_354 = tpu.vector_load %arg17[%swap3A_352, %swap3A_353] {strides = array<i32>} : memref<16x1024xf32, #tpu.memory_space<vmem>>, vector<1x16xf32>,
      %swap3A_355 = vector.shape_cast %swap3A_354 : vector<1x16xf32> to vector<16xf32>
      %swap3A_356 = vector.shape_cast %broadcast_in_dim3A_349 : vector<16xf32> to vector<1x16xf32>
      tpu.vector_store %arg17[%swap3A_352, %swap3A_353], %swap3A_356 {strides = array<i32>} : memref<16x1024xf32, #tpu.memory_space<vmem>>, vector<1x16xf32>,
      %broadcast_in_dim3A_357 = arith.constant 0.000000e+00 : f32
      %broadcast_in_dim3A_358 = vector.broadcast %broadcast_in_dim3A_357 : f32 to vector<16xf32>
      %add3A_359 = arith.constant 48 : i32
      %add3A_360 = arith.addi %mul3A_331, %add3A_359 : i32
      %swap3A_361 = arith.index_cast %select_n3A_314 : i32 to index
      %swap3A_362 = arith.index_cast %add3A_360 : i32 to index
      %swap3A_363 = tpu.vector_load %arg17[%swap3A_361, %swap3A_362] {strides = array<i32>} : memref<16x1024xf32, #tpu.memory_space<vmem>>, vector<1x16xf32>,
      %swap3A_364 = vector.shape_cast %swap3A_363 : vector<1x16xf32> to vector<16xf32>
      %swap3A_365 = vector.shape_cast %broadcast_in_dim3A_358 : vector<16xf32> to vector<1x16xf32>
      tpu.vector_store %arg17[%swap3A_361, %swap3A_362], %swap3A_365 {strides = array<i32>} : memref<16x1024xf32, #tpu.memory_space<vmem>>, vector<1x16xf32>,
      %broadcast_in_dim3A_366 = arith.constant 0.000000e+00 : f32
      %broadcast_in_dim3A_367 = vector.broadcast %broadcast_in_dim3A_366 : f32 to vector<16xf32>
      %add3A_368 = arith.constant 64 : i32
      %add3A_369 = arith.addi %mul3A_331, %add3A_368 : i32
      %swap3A_370 = arith.index_cast %select_n3A_314 : i32 to index
      %swap3A_371 = arith.index_cast %add3A_369 : i32 to index
      %swap3A_372 = tpu.vector_load %arg17[%swap3A_370, %swap3A_371] {strides = array<i32>} : memref<16x1024xf32, #tpu.memory_space<vmem>>, vector<1x16xf32>,
      %swap3A_373 = vector.shape_cast %swap3A_372 : vector<1x16xf32> to vector<16xf32>
      %swap3A_374 = vector.shape_cast %broadcast_in_dim3A_367 : vector<16xf32> to vector<1x16xf32>
      tpu.vector_store %arg17[%swap3A_370, %swap3A_371], %swap3A_374 {strides = array<i32>} : memref<16x1024xf32, #tpu.memory_space<vmem>>, vector<1x16xf32>,
      %broadcast_in_dim3A_375 = arith.constant 0.000000e+00 : f32
      %broadcast_in_dim3A_376 = vector.broadcast %broadcast_in_dim3A_375 : f32 to vector<16xf32>
      %add3A_377 = arith.constant 80 : i32
      %add3A_378 = arith.addi %mul3A_331, %add3A_377 : i32
      %swap3A_379 = arith.index_cast %select_n3A_314 : i32 to index
      %swap3A_380 = arith.index_cast %add3A_378 : i32 to index
      %swap3A_381 = tpu.vector_load %arg17[%swap3A_379, %swap3A_380] {strides = array<i32>} : memref<16x1024xf32, #tpu.memory_space<vmem>>, vector<1x16xf32>,
      %swap3A_382 = vector.shape_cast %swap3A_381 : vector<1x16xf32> to vector<16xf32>
      %swap3A_383 = vector.shape_cast %broadcast_in_dim3A_376 : vector<16xf32> to vector<1x16xf32>
      tpu.vector_store %arg17[%swap3A_379, %swap3A_380], %swap3A_383 {strides = array<i32>} : memref<16x1024xf32, #tpu.memory_space<vmem>>, vector<1x16xf32>,
      %broadcast_in_dim3A_384 = arith.constant 0.000000e+00 : f32
      %broadcast_in_dim3A_385 = vector.broadcast %broadcast_in_dim3A_384 : f32 to vector<16xf32>
      %add3A_386 = arith.constant 96 : i32
      %add3A_387 = arith.addi %mul3A_331, %add3A_386 : i32
      %swap3A_388 = arith.index_cast %select_n3A_314 : i32 to index
      %swap3A_389 = arith.index_cast %add3A_387 : i32 to index
      %swap3A_390 = tpu.vector_load %arg17[%swap3A_388, %swap3A_389] {strides = array<i32>} : memref<16x1024xf32, #tpu.memory_space<vmem>>, vector<1x16xf32>,
      %swap3A_391 = vector.shape_cast %swap3A_390 : vector<1x16xf32> to vector<16xf32>
      %swap3A_392 = vector.shape_cast %broadcast_in_dim3A_385 : vector<16xf32> to vector<1x16xf32>
      tpu.vector_store %arg17[%swap3A_388, %swap3A_389], %swap3A_392 {strides = array<i32>} : memref<16x1024xf32, #tpu.memory_space<vmem>>, vector<1x16xf32>,
      %broadcast_in_dim3A_393 = arith.constant 0.000000e+00 : f32
      %broadcast_in_dim3A_394 = vector.broadcast %broadcast_in_dim3A_393 : f32 to vector<16xf32>
      %add3A_395 = arith.constant 112 : i32
      %add3A_396 = arith.addi %mul3A_331, %add3A_395 : i32
      %swap3A_397 = arith.index_cast %select_n3A_314 : i32 to index
      %swap3A_398 = arith.index_cast %add3A_396 : i32 to index
      %swap3A_399 = tpu.vector_load %arg17[%swap3A_397, %swap3A_398] {strides = array<i32>} : memref<16x1024xf32, #tpu.memory_space<vmem>>, vector<1x16xf32>,
      %swap3A_400 = vector.shape_cast %swap3A_399 : vector<1x16xf32> to vector<16xf32>
      %swap3A_401 = vector.shape_cast %broadcast_in_dim3A_394 : vector<16xf32> to vector<1x16xf32>
      tpu.vector_store %arg17[%swap3A_397, %swap3A_398], %swap3A_401 {strides = array<i32>} : memref<16x1024xf32, #tpu.memory_space<vmem>>, vector<1x16xf32>,
    }
    %scan3A_19 = arith.constant 128 : i32
    %jit3A = arith.constant 8 : i32
    %div3A = arith.divsi %squeeze3A_14, %jit3A : i32
    %sign3A = arith.constant 0 : i32
    %sign3A_20 = arith.cmpi sgt, %squeeze3A_14, %sign3A : i32
    %sign3A_21 = arith.extui %sign3A_20 : i1 to i32
    %sign3A_22 = arith.constant 0 : i32
    %sign3A_23 = arith.cmpi slt, %squeeze3A_14, %sign3A_22 : i32
    %sign3A_24 = arith.extui %sign3A_23 : i1 to i32
    %sign3A_25 = arith.subi %sign3A_21, %sign3A_24 : i32
    %sign3A_26 = arith.constant 0 : i32
    %sign3A_27 = arith.cmpi sgt, %jit3A, %sign3A_26 : i32
    %sign3A_28 = arith.extui %sign3A_27 : i1 to i32
    %sign3A_29 = arith.constant 0 : i32
    %sign3A_30 = arith.cmpi slt, %jit3A, %sign3A_29 : i32
    %sign3A_31 = arith.extui %sign3A_30 : i1 to i32
    %sign3A_32 = arith.subi %sign3A_28, %sign3A_31 : i32
    %ne3A = arith.cmpi ne, %sign3A_25, %sign3A_32 : i32
    %rem3A = arith.remsi %squeeze3A_14, %jit3A : i32
    %ne3A_33 = arith.constant 0 : i32
    %ne3A_34 = arith.cmpi ne, %rem3A, %ne3A_33 : i32
    %and3A = arith.andi %ne3A, %ne3A_34 : i1
    %sub3A = arith.constant 1 : i32
    %sub3A_35 = arith.subi %div3A, %sub3A : i32
    %select_n3A = arith.select %and3A, %sub3A_35, %div3A : i32
    %mul3A_36 = arith.constant 8 : i32
    %mul3A_37 = arith.muli %select_n3A, %mul3A_36 : i32
    %sub3A_38 = arith.constant 2048 : i32
    %sub3A_39 = arith.subi %sub3A_38, %mul3A_37 : i32
    %jit3A_40 = arith.constant 16 : i32
    %div3A_41 = arith.divsi %sub3A_39, %jit3A_40 : i32
    %sign3A_42 = arith.constant 0 : i32
    %sign3A_43 = arith.cmpi sgt, %sub3A_39, %sign3A_42 : i32
    %sign3A_44 = arith.extui %sign3A_43 : i1 to i32
    %sign3A_45 = arith.constant 0 : i32
    %sign3A_46 = arith.cmpi slt, %sub3A_39, %sign3A_45 : i32
    %sign3A_47 = arith.extui %sign3A_46 : i1 to i32
    %sign3A_48 = arith.subi %sign3A_44, %sign3A_47 : i32
    %sign3A_49 = arith.constant 0 : i32
    %sign3A_50 = arith.cmpi sgt, %jit3A_40, %sign3A_49 : i32
    %sign3A_51 = arith.extui %sign3A_50 : i1 to i32
    %sign3A_52 = arith.constant 0 : i32
    %sign3A_53 = arith.cmpi slt, %jit3A_40, %sign3A_52 : i32
    %sign3A_54 = arith.extui %sign3A_53 : i1 to i32
    %sign3A_55 = arith.subi %sign3A_51, %sign3A_54 : i32
    %ne3A_56 = arith.cmpi ne, %sign3A_48, %sign3A_55 : i32
    %rem3A_57 = arith.remsi %sub3A_39, %jit3A_40 : i32
    %ne3A_58 = arith.constant 0 : i32
    %ne3A_59 = arith.cmpi ne, %rem3A_57, %ne3A_58 : i32
    %and3A_60 = arith.andi %ne3A_56, %ne3A_59 : i1
    %sub3A_61 = arith.constant 1 : i32
    %sub3A_62 = arith.subi %div3A_41, %sub3A_61 : i32
    %select_n3A_63 = arith.select %and3A_60, %sub3A_62, %div3A_41 : i32
    %while3A = arith.constant 0 : i32
    %while3A_64 = arith.constant 0 : i32
    %while3A_65 = arith.subi %select_n3A_63, %while3A_64 : i32
    %while3A_66 = arith.addi %while3A_64, %while3A_65 : i32
    %while3A_67 = arith.constant 1 : i32
    %while3A_68 = arith.divsi %while3A_65, %while3A_67 : i32
    %while3A_69 = arith.muli %while3A_68, %while3A_67 : i32
    %while3A_70 = arith.addi %while3A_64, %while3A_69 : i32
    %while3A_71 = arith.constant 1 : i32
    scf.for %while3A_290 = %while3A_64 to %while3A_70 step %while3A_71  : i32 {
      %add3A_291 = arith.constant 2048 : i32
      %add3A_292 = arith.addi %mul3A_2, %add3A_291 : i32
      %add3A_293 = arith.constant 1 : i32
      %add3A_294 = arith.addi %while3A_290, %add3A_293 : i32
      %mul3A_295 = arith.constant 16 : i32
      %mul3A_296 = arith.muli %add3A_294, %mul3A_295 : i32
      %sub3A_297 = arith.subi %add3A_292, %mul3A_296 : i32
      %dma_start3A = arith.constant 0 : i32
      %dma_start3A_298 = tpu.memref_slice %arg9[%sub3A_297, %dma_start3A] : memref<65536x1024xf32, #tpu.memory_space<hbm>> -> memref<16x1024xf32, #tpu.memory_space<hbm>>
      %dma_start3A_299 = arith.constant 0 : i32
      %dma_start3A_300 = tpu.memref_slice %arg9[%sub3A_297, %dma_start3A_299] : memref<65536x1024xf32, #tpu.memory_space<hbm>> -> memref<16x1024xf32, #tpu.memory_space<hbm>>
      tpu.enqueue_dma source(%arg17 : memref<16x1024xf32, #tpu.memory_space<vmem>>) target(%dma_start3A_300 : memref<16x1024xf32, #tpu.memory_space<hbm>>) target_semaphore(%arg18 : memref<!tpu.dma_semaphore, #tpu.memory_space<semaphore_mem>>)
      %ge3A_301 = arith.constant 4 : i32
      %ge3A_302 = arith.cmpi sge, %while3A_290, %ge3A_301 : i32
      %convert_element_type3A_303 = arith.extui %ge3A_302 : i1 to i32
      %cond3A_304 = arith.constant 0 : i32
      %cond3A_305 = arith.cmpi ne, %convert_element_type3A_303, %cond3A_304 : i32
      scf.if %cond3A_305 {
        %dma_wait3A = arith.constant 0 : i32
        %dma_wait3A_306 = tpu.memref_slice %arg9[%mul3A_2, %dma_wait3A] : memref<65536x1024xf32, #tpu.memory_space<hbm>> -> memref<16x1024xf32, #tpu.memory_space<hbm>>
        %dma_wait3A_307 = arith.constant 0 : i32
        %dma_wait3A_308 = tpu.memref_slice %arg9[%mul3A_2, %dma_wait3A_307] : memref<65536x1024xf32, #tpu.memory_space<hbm>> -> memref<16x1024xf32, #tpu.memory_space<hbm>>
        tpu.wait_dma2 semaphore(%arg18 : memref<!tpu.dma_semaphore, #tpu.memory_space<semaphore_mem>>) src(%dma_wait3A_308 : memref<16x1024xf32, #tpu.memory_space<hbm>>) dst(%arg17 : memref<16x1024xf32, #tpu.memory_space<vmem>>)
      } else {
      }
    }
    %while3A_72 = arith.constant 1 : i32
    scf.for %while3A_290 = %while3A_70 to %while3A_66 step %while3A_72  : i32 {
      %add3A_291 = arith.constant 2048 : i32
      %add3A_292 = arith.addi %mul3A_2, %add3A_291 : i32
      %add3A_293 = arith.constant 1 : i32
      %add3A_294 = arith.addi %while3A_290, %add3A_293 : i32
      %mul3A_295 = arith.constant 16 : i32
      %mul3A_296 = arith.muli %add3A_294, %mul3A_295 : i32
      %sub3A_297 = arith.subi %add3A_292, %mul3A_296 : i32
      %dma_start3A = arith.constant 0 : i32
      %dma_start3A_298 = tpu.memref_slice %arg9[%sub3A_297, %dma_start3A] : memref<65536x1024xf32, #tpu.memory_space<hbm>> -> memref<16x1024xf32, #tpu.memory_space<hbm>>
      %dma_start3A_299 = arith.constant 0 : i32
      %dma_start3A_300 = tpu.memref_slice %arg9[%sub3A_297, %dma_start3A_299] : memref<65536x1024xf32, #tpu.memory_space<hbm>> -> memref<16x1024xf32, #tpu.memory_space<hbm>>
      tpu.enqueue_dma source(%arg17 : memref<16x1024xf32, #tpu.memory_space<vmem>>) target(%dma_start3A_300 : memref<16x1024xf32, #tpu.memory_space<hbm>>) target_semaphore(%arg18 : memref<!tpu.dma_semaphore, #tpu.memory_space<semaphore_mem>>)
      %ge3A_301 = arith.constant 4 : i32
      %ge3A_302 = arith.cmpi sge, %while3A_290, %ge3A_301 : i32
      %convert_element_type3A_303 = arith.extui %ge3A_302 : i1 to i32
      %cond3A_304 = arith.constant 0 : i32
      %cond3A_305 = arith.cmpi ne, %convert_element_type3A_303, %cond3A_304 : i32
      scf.if %cond3A_305 {
        %dma_wait3A = arith.constant 0 : i32
        %dma_wait3A_306 = tpu.memref_slice %arg9[%mul3A_2, %dma_wait3A] : memref<65536x1024xf32, #tpu.memory_space<hbm>> -> memref<16x1024xf32, #tpu.memory_space<hbm>>
        %dma_wait3A_307 = arith.constant 0 : i32
        %dma_wait3A_308 = tpu.memref_slice %arg9[%mul3A_2, %dma_wait3A_307] : memref<65536x1024xf32, #tpu.memory_space<hbm>> -> memref<16x1024xf32, #tpu.memory_space<hbm>>
        tpu.wait_dma2 semaphore(%arg18 : memref<!tpu.dma_semaphore, #tpu.memory_space<semaphore_mem>>) src(%dma_wait3A_308 : memref<16x1024xf32, #tpu.memory_space<hbm>>) dst(%arg17 : memref<16x1024xf32, #tpu.memory_space<vmem>>)
      } else {
      }
    }
    %min3A = arith.constant 4 : i32
    %min3A_73 = arith.minsi %select_n3A_63, %min3A : i32
    %while3A_74 = arith.constant 0 : i32
    %while3A_75 = arith.constant 0 : i32
    %while3A_76 = arith.subi %min3A_73, %while3A_75 : i32
    %while3A_77 = arith.addi %while3A_75, %while3A_76 : i32
    %while3A_78 = arith.constant 1 : i32
    %while3A_79 = arith.divsi %while3A_76, %while3A_78 : i32
    %while3A_80 = arith.muli %while3A_79, %while3A_78 : i32
    %while3A_81 = arith.addi %while3A_75, %while3A_80 : i32
    %while3A_82 = arith.constant 1 : i32
    scf.for %while3A_290 = %while3A_75 to %while3A_81 step %while3A_82  : i32 {
      %dma_wait3A = arith.constant 0 : i32
      %dma_wait3A_291 = tpu.memref_slice %arg9[%mul3A_2, %dma_wait3A] : memref<65536x1024xf32, #tpu.memory_space<hbm>> -> memref<16x1024xf32, #tpu.memory_space<hbm>>
      %dma_wait3A_292 = arith.constant 0 : i32
      %dma_wait3A_293 = tpu.memref_slice %arg9[%mul3A_2, %dma_wait3A_292] : memref<65536x1024xf32, #tpu.memory_space<hbm>> -> memref<16x1024xf32, #tpu.memory_space<hbm>>
      tpu.wait_dma2 semaphore(%arg18 : memref<!tpu.dma_semaphore, #tpu.memory_space<semaphore_mem>>) src(%dma_wait3A_293 : memref<16x1024xf32, #tpu.memory_space<hbm>>) dst(%arg17 : memref<16x1024xf32, #tpu.memory_space<vmem>>)
    }
    %while3A_83 = arith.constant 1 : i32
    scf.for %while3A_290 = %while3A_81 to %while3A_77 step %while3A_83  : i32 {
      %dma_wait3A = arith.constant 0 : i32
      %dma_wait3A_291 = tpu.memref_slice %arg9[%mul3A_2, %dma_wait3A] : memref<65536x1024xf32, #tpu.memory_space<hbm>> -> memref<16x1024xf32, #tpu.memory_space<hbm>>
      %dma_wait3A_292 = arith.constant 0 : i32
      %dma_wait3A_293 = tpu.memref_slice %arg9[%mul3A_2, %dma_wait3A_292] : memref<65536x1024xf32, #tpu.memory_space<hbm>> -> memref<16x1024xf32, #tpu.memory_space<hbm>>
      tpu.wait_dma2 semaphore(%arg18 : memref<!tpu.dma_semaphore, #tpu.memory_space<semaphore_mem>>) src(%dma_wait3A_293 : memref<16x1024xf32, #tpu.memory_space<hbm>>) dst(%arg17 : memref<16x1024xf32, #tpu.memory_space<vmem>>)
    }
    %mul3A_84 = arith.constant 16 : i32
    %mul3A_85 = arith.muli %select_n3A_63, %mul3A_84 : i32
    %sub3A_86 = arith.subi %sub3A_39, %mul3A_85 : i32
    %eq3A = arith.constant 8 : i32
    %eq3A_87 = arith.cmpi eq, %sub3A_86, %eq3A : i32
    %convert_element_type3A = arith.extui %eq3A_87 : i1 to i32
    %cond3A = arith.constant 0 : i32
    %cond3A_88 = arith.cmpi ne, %convert_element_type3A, %cond3A : i32
    scf.if %cond3A_88 {
      %add3A_290 = arith.addi %mul3A_2, %mul3A_37 : i32
      "tpu.region"() ({
        %run_scoped3A = tpu.sem_alloc : memref<!tpu.dma_semaphore, #tpu.memory_space<semaphore_mem>>
        %dma_start3A = arith.constant 0 : i32
        %dma_start3A_291 = arith.constant 0 : i32
        %dma_start3A_292 = tpu.memref_slice %arg17[%dma_start3A, %dma_start3A_291] : memref<16x1024xf32, #tpu.memory_space<vmem>> -> memref<8x1024xf32, #tpu.memory_space<vmem>>
        %dma_start3A_293 = arith.constant 0 : i32
        %dma_start3A_294 = tpu.memref_slice %arg9[%add3A_290, %dma_start3A_293] : memref<65536x1024xf32, #tpu.memory_space<hbm>> -> memref<8x1024xf32, #tpu.memory_space<hbm>>
        %dma_start3A_295 = arith.constant 0 : i32
        %dma_start3A_296 = tpu.memref_slice %arg9[%add3A_290, %dma_start3A_295] : memref<65536x1024xf32, #tpu.memory_space<hbm>> -> memref<8x1024xf32, #tpu.memory_space<hbm>>
        %dma_start3A_297 = arith.constant 0 : i32
        %dma_start3A_298 = arith.constant 0 : i32
        %dma_start3A_299 = tpu.memref_slice %arg17[%dma_start3A_297, %dma_start3A_298] : memref<16x1024xf32, #tpu.memory_space<vmem>> -> memref<8x1024xf32, #tpu.memory_space<vmem>>
        tpu.enqueue_dma source(%dma_start3A_299 : memref<8x1024xf32, #tpu.memory_space<vmem>>) target(%dma_start3A_296 : memref<8x1024xf32, #tpu.memory_space<hbm>>) target_semaphore(%run_scoped3A : memref<!tpu.dma_semaphore, #tpu.memory_space<semaphore_mem>>)
        %dma_wait3A = arith.constant 0 : i32
        %dma_wait3A_300 = arith.constant 0 : i32
        %dma_wait3A_301 = tpu.memref_slice %arg17[%dma_wait3A, %dma_wait3A_300] : memref<16x1024xf32, #tpu.memory_space<vmem>> -> memref<8x1024xf32, #tpu.memory_space<vmem>>
        %dma_wait3A_302 = arith.constant 0 : i32
        %dma_wait3A_303 = tpu.memref_slice %arg9[%add3A_290, %dma_wait3A_302] : memref<65536x1024xf32, #tpu.memory_space<hbm>> -> memref<8x1024xf32, #tpu.memory_space<hbm>>
        %dma_wait3A_304 = arith.constant 0 : i32
        %dma_wait3A_305 = tpu.memref_slice %arg9[%add3A_290, %dma_wait3A_304] : memref<65536x1024xf32, #tpu.memory_space<hbm>> -> memref<8x1024xf32, #tpu.memory_space<hbm>>
        %dma_wait3A_306 = arith.constant 0 : i32
        %dma_wait3A_307 = arith.constant 0 : i32
        %dma_wait3A_308 = tpu.memref_slice %arg17[%dma_wait3A_306, %dma_wait3A_307] : memref<16x1024xf32, #tpu.memory_space<vmem>> -> memref<8x1024xf32, #tpu.memory_space<vmem>>
        tpu.wait_dma2 semaphore(%run_scoped3A : memref<!tpu.dma_semaphore, #tpu.memory_space<semaphore_mem>>) src(%dma_wait3A_308 : memref<8x1024xf32, #tpu.memory_space<vmem>>) dst(%dma_wait3A_305 : memref<8x1024xf32, #tpu.memory_space<hbm>>)
        tpu.yield
      }) : () -> ()
    } else {
    }
    %jit3A_89 = arith.constant 8 : i32
    %div3A_90 = arith.divsi %squeeze3A, %jit3A_89 : i32
    %sign3A_91 = arith.constant 0 : i32
    %sign3A_92 = arith.cmpi sgt, %squeeze3A, %sign3A_91 : i32
    %sign3A_93 = arith.extui %sign3A_92 : i1 to i32
    %sign3A_94 = arith.constant 0 : i32
    %sign3A_95 = arith.cmpi slt, %squeeze3A, %sign3A_94 : i32
    %sign3A_96 = arith.extui %sign3A_95 : i1 to i32
    %sign3A_97 = arith.subi %sign3A_93, %sign3A_96 : i32
    %sign3A_98 = arith.constant 0 : i32
    %sign3A_99 = arith.cmpi sgt, %jit3A_89, %sign3A_98 : i32
    %sign3A_100 = arith.extui %sign3A_99 : i1 to i32
    %sign3A_101 = arith.constant 0 : i32
    %sign3A_102 = arith.cmpi slt, %jit3A_89, %sign3A_101 : i32
    %sign3A_103 = arith.extui %sign3A_102 : i1 to i32
    %sign3A_104 = arith.subi %sign3A_100, %sign3A_103 : i32
    %ne3A_105 = arith.cmpi ne, %sign3A_97, %sign3A_104 : i32
    %rem3A_106 = arith.remsi %squeeze3A, %jit3A_89 : i32
    %ne3A_107 = arith.constant 0 : i32
    %ne3A_108 = arith.cmpi ne, %rem3A_106, %ne3A_107 : i32
    %and3A_109 = arith.andi %ne3A_105, %ne3A_108 : i1
    %sub3A_110 = arith.constant 1 : i32
    %sub3A_111 = arith.subi %div3A_90, %sub3A_110 : i32
    %select_n3A_112 = arith.select %and3A_109, %sub3A_111, %div3A_90 : i32
    %mul3A_113 = arith.constant 8 : i32
    %mul3A_114 = arith.muli %select_n3A_112, %mul3A_113 : i32
    %sub3A_115 = arith.subi %squeeze3A_8, %mul3A_114 : i32
    %add3A_116 = arith.constant 48 : i32
    %add3A_117 = arith.addi %sub3A_115, %add3A_116 : i32
    %sub3A_118 = arith.constant 1 : i32
    %sub3A_119 = arith.subi %add3A_117, %sub3A_118 : i32
    %jit3A_120 = arith.constant 48 : i32
    %div3A_121 = arith.divsi %sub3A_119, %jit3A_120 : i32
    %sign3A_122 = arith.constant 0 : i32
    %sign3A_123 = arith.cmpi sgt, %sub3A_119, %sign3A_122 : i32
    %sign3A_124 = arith.extui %sign3A_123 : i1 to i32
    %sign3A_125 = arith.constant 0 : i32
    %sign3A_126 = arith.cmpi slt, %sub3A_119, %sign3A_125 : i32
    %sign3A_127 = arith.extui %sign3A_126 : i1 to i32
    %sign3A_128 = arith.subi %sign3A_124, %sign3A_127 : i32
    %sign3A_129 = arith.constant 0 : i32
    %sign3A_130 = arith.cmpi sgt, %jit3A_120, %sign3A_129 : i32
    %sign3A_131 = arith.extui %sign3A_130 : i1 to i32
    %sign3A_132 = arith.constant 0 : i32
    %sign3A_133 = arith.cmpi slt, %jit3A_120, %sign3A_132 : i32
    %sign3A_134 = arith.extui %sign3A_133 : i1 to i32
    %sign3A_135 = arith.subi %sign3A_131, %sign3A_134 : i32
    %ne3A_136 = arith.cmpi ne, %sign3A_128, %sign3A_135 : i32
    %rem3A_137 = arith.remsi %sub3A_119, %jit3A_120 : i32
    %ne3A_138 = arith.constant 0 : i32
    %ne3A_139 = arith.cmpi ne, %rem3A_137, %ne3A_138 : i32
    %and3A_140 = arith.andi %ne3A_136, %ne3A_139 : i1
    %sub3A_141 = arith.constant 1 : i32
    %sub3A_142 = arith.subi %div3A_121, %sub3A_141 : i32
    %select_n3A_143 = arith.select %and3A_140, %sub3A_142, %div3A_121 : i32
    %add3A_144 = arith.constant 1 : i32
    %add3A_145 = arith.addi %select_n3A_143, %add3A_144 : i32
    %jit3A_146 = arith.constant 2 : i32
    %div3A_147 = arith.divsi %add3A_145, %jit3A_146 : i32
    %sign3A_148 = arith.constant 0 : i32
    %sign3A_149 = arith.cmpi sgt, %add3A_145, %sign3A_148 : i32
    %sign3A_150 = arith.extui %sign3A_149 : i1 to i32
    %sign3A_151 = arith.constant 0 : i32
    %sign3A_152 = arith.cmpi slt, %add3A_145, %sign3A_151 : i32
    %sign3A_153 = arith.extui %sign3A_152 : i1 to i32
    %sign3A_154 = arith.subi %sign3A_150, %sign3A_153 : i32
    %sign3A_155 = arith.constant 0 : i32
    %sign3A_156 = arith.cmpi sgt, %jit3A_146, %sign3A_155 : i32
    %sign3A_157 = arith.extui %sign3A_156 : i1 to i32
    %sign3A_158 = arith.constant 0 : i32
    %sign3A_159 = arith.cmpi slt, %jit3A_146, %sign3A_158 : i32
    %sign3A_160 = arith.extui %sign3A_159 : i1 to i32
    %sign3A_161 = arith.subi %sign3A_157, %sign3A_160 : i32
    %ne3A_162 = arith.cmpi ne, %sign3A_154, %sign3A_161 : i32
    %rem3A_163 = arith.remsi %add3A_145, %jit3A_146 : i32
    %ne3A_164 = arith.constant 0 : i32
    %ne3A_165 = arith.cmpi ne, %rem3A_163, %ne3A_164 : i32
    %and3A_166 = arith.andi %ne3A_162, %ne3A_165 : i1
    %sub3A_167 = arith.constant 1 : i32
    %sub3A_168 = arith.subi %div3A_147, %sub3A_167 : i32
    %select_n3A_169 = arith.select %and3A_166, %sub3A_168, %div3A_147 : i32
    %while3A_170 = arith.constant 0 : i32
    %while3A_171 = arith.constant 0 : i32
    %while3A_172 = arith.subi %select_n3A_169, %while3A_171 : i32
    %while3A_173 = arith.addi %while3A_171, %while3A_172 : i32
    %while3A_174 = arith.constant 1 : i32
    %while3A_175 = arith.divsi %while3A_172, %while3A_174 : i32
    %while3A_176 = arith.muli %while3A_175, %while3A_174 : i32
    %while3A_177 = arith.addi %while3A_171, %while3A_176 : i32
    %while3A_178 = arith.constant 1 : i32
    scf.for %while3A_290 = %while3A_171 to %while3A_177 step %while3A_178  : i32 {
      %mul3A_291 = arith.constant 2 : i32
      %mul3A_292 = arith.muli %mul3A_291, %while3A_290 : i32
      %lt3A = arith.cmpi slt, %mul3A_292, %select_n3A_143 : i32
      %convert_element_type3A_293 = arith.extui %lt3A : i1 to i32
      %cond3A_294 = arith.constant 0 : i32
      %cond3A_295 = arith.cmpi ne, %convert_element_type3A_293, %cond3A_294 : i32
      scf.if %cond3A_295 {
        %ge3A_304 = arith.constant 2 : i32
        %ge3A_305 = arith.cmpi sge, %mul3A_292, %ge3A_304 : i32
        %convert_element_type3A_306 = arith.extui %ge3A_305 : i1 to i32
        %cond3A_307 = arith.constant 0 : i32
        %cond3A_308 = arith.cmpi ne, %convert_element_type3A_306, %cond3A_307 : i32
        scf.if %cond3A_308 {
          %dma_wait3A_321 = arith.constant 0 : i32
          %dma_wait3A_322 = tpu.memref_slice %arg9[%mul3A_2, %dma_wait3A_321] : memref<65536x1024xf32, #tpu.memory_space<hbm>> -> memref<48x1024xf32, #tpu.memory_space<hbm>>
          %dma_wait3A_323 = arith.constant 0 : i32
          %dma_wait3A_324 = tpu.memref_slice %arg9[%mul3A_2, %dma_wait3A_323] : memref<65536x1024xf32, #tpu.memory_space<hbm>> -> memref<48x1024xf32, #tpu.memory_space<hbm>>
          tpu.wait_dma2 semaphore(%arg21 : memref<!tpu.dma_semaphore, #tpu.memory_space<semaphore_mem>>) src(%dma_wait3A_324 : memref<48x1024xf32, #tpu.memory_space<hbm>>) dst(%arg15 : memref<48x1024xf32, #tpu.memory_space<vmem>>)
        } else {
        }
        %mul3A_309 = arith.constant 48 : i32
        %mul3A_310 = arith.muli %mul3A_292, %mul3A_309 : i32
        %add3A_311 = arith.addi %mul3A_114, %mul3A_310 : i32
        %min3A_312 = arith.constant 32720 : i32
        %min3A_313 = arith.minsi %add3A_311, %min3A_312 : i32
        "tpu.region"() ({
          %run_scoped3A = tpu.sem_alloc : memref<!tpu.dma_semaphore, #tpu.memory_space<semaphore_mem>>
          %dma_start3A_321 = tpu.memref_slice %arg4[%min3A_313] : memref<32768xi32, #tpu.memory_space<hbm>> -> memref<48xi32, #tpu.memory_space<hbm>>
          %dma_start3A_322 = tpu.memref_slice %arg4[%min3A_313] : memref<32768xi32, #tpu.memory_space<hbm>> -> memref<48xi32, #tpu.memory_space<hbm>>
          tpu.enqueue_dma source(%dma_start3A_322 : memref<48xi32, #tpu.memory_space<hbm>>) target(%arg11 : memref<48xi32, #tpu.memory_space<vmem>>) target_semaphore(%run_scoped3A : memref<!tpu.dma_semaphore, #tpu.memory_space<semaphore_mem>>)
          %dma_wait3A_323 = tpu.memref_slice %arg4[%min3A_313] : memref<32768xi32, #tpu.memory_space<hbm>> -> memref<48xi32, #tpu.memory_space<hbm>>
          %dma_wait3A_324 = tpu.memref_slice %arg4[%min3A_313] : memref<32768xi32, #tpu.memory_space<hbm>> -> memref<48xi32, #tpu.memory_space<hbm>>
          tpu.wait_dma2 semaphore(%run_scoped3A : memref<!tpu.dma_semaphore, #tpu.memory_space<semaphore_mem>>) src(%dma_wait3A_324 : memref<48xi32, #tpu.memory_space<hbm>>) dst(%arg11 : memref<48xi32, #tpu.memory_space<vmem>>)
          tpu.yield
        }) : () -> ()
        "tpu.region"() ({
          %run_scoped3A = tpu.sem_alloc : memref<!tpu.dma_semaphore, #tpu.memory_space<semaphore_mem>>
          %dma_start3A_321 = tpu.memref_slice %arg5[%min3A_313] : memref<32768xi32, #tpu.memory_space<hbm>> -> memref<48xi32, #tpu.memory_space<hbm>>
          %dma_start3A_322 = tpu.memref_slice %arg5[%min3A_313] : memref<32768xi32, #tpu.memory_space<hbm>> -> memref<48xi32, #tpu.memory_space<hbm>>
          tpu.enqueue_dma source(%dma_start3A_322 : memref<48xi32, #tpu.memory_space<hbm>>) target(%arg12 : memref<48xi32, #tpu.memory_space<vmem>>) target_semaphore(%run_scoped3A : memref<!tpu.dma_semaphore, #tpu.memory_space<semaphore_mem>>)
          %dma_wait3A_323 = tpu.memref_slice %arg5[%min3A_313] : memref<32768xi32, #tpu.memory_space<hbm>> -> memref<48xi32, #tpu.memory_space<hbm>>
          %dma_wait3A_324 = tpu.memref_slice %arg5[%min3A_313] : memref<32768xi32, #tpu.memory_space<hbm>> -> memref<48xi32, #tpu.memory_space<hbm>>
          tpu.wait_dma2 semaphore(%run_scoped3A : memref<!tpu.dma_semaphore, #tpu.memory_space<semaphore_mem>>) src(%dma_wait3A_324 : memref<48xi32, #tpu.memory_space<hbm>>) dst(%arg12 : memref<48xi32, #tpu.memory_space<vmem>>)
          tpu.yield
        }) : () -> ()
        %dma_start3A = arith.constant 0 : i32
        %dma_start3A_314 = arith.constant 0 : i32
        %dma_start3A_315 = tpu.memref_slice %arg2[%dma_start3A, %dma_start3A_314] : memref<32000x1024xf32, #tpu.memory_space<hbm>> -> memref<32000x1024xf32, #tpu.memory_space<hbm>>
        tpu.enqueue_indirect_dma source(%dma_start3A_315 : memref<32000x1024xf32, #tpu.memory_space<hbm>>) target(%arg15 : memref<48x1024xf32, #tpu.memory_space<vmem>>) offsets(%arg11 : memref<48xi32, #tpu.memory_space<vmem>>) semaphore(%arg19 : memref<!tpu.dma_semaphore, #tpu.memory_space<semaphore_mem>>)
        %dma_wait3A = arith.constant 0 : i32
        %dma_wait3A_316 = arith.constant 0 : i32
        %dma_wait3A_317 = tpu.memref_slice %arg2[%dma_wait3A, %dma_wait3A_316] : memref<32000x1024xf32, #tpu.memory_space<hbm>> -> memref<32000x1024xf32, #tpu.memory_space<hbm>>
        tpu.wait_indirect_dma semaphore(%arg19 : memref<!tpu.dma_semaphore, #tpu.memory_space<semaphore_mem>>) src(%dma_wait3A_317 : memref<32000x1024xf32, #tpu.memory_space<hbm>>) dst(%arg15 : memref<48x1024xf32, #tpu.memory_space<vmem>>)
        %dma_start3A_318 = arith.constant 0 : i32
        %dma_start3A_319 = arith.constant 0 : i32
        %dma_start3A_320 = tpu.memref_slice %arg9[%dma_start3A_318, %dma_start3A_319] : memref<65536x1024xf32, #tpu.memory_space<hbm>> -> memref<65536x1024xf32, #tpu.memory_space<hbm>>
        tpu.enqueue_indirect_dma source(%arg15 : memref<48x1024xf32, #tpu.memory_space<vmem>>) target(%dma_start3A_320 : memref<65536x1024xf32, #tpu.memory_space<hbm>>) offsets(%arg12 : memref<48xi32, #tpu.memory_space<vmem>>) semaphore(%arg21 : memref<!tpu.dma_semaphore, #tpu.memory_space<semaphore_mem>>)
      } else {
      }
      %mul3A_296 = arith.constant 2 : i32
      %mul3A_297 = arith.muli %mul3A_296, %while3A_290 : i32
      %add3A_298 = arith.constant 1 : i32
      %add3A_299 = arith.addi %mul3A_297, %add3A_298 : i32
      %lt3A_300 = arith.cmpi slt, %add3A_299, %select_n3A_143 : i32
      %convert_element_type3A_301 = arith.extui %lt3A_300 : i1 to i32
      %cond3A_302 = arith.constant 0 : i32
      %cond3A_303 = arith.cmpi ne, %convert_element_type3A_301, %cond3A_302 : i32
      scf.if %cond3A_303 {
        %ge3A_304 = arith.constant 2 : i32
        %ge3A_305 = arith.cmpi sge, %add3A_299, %ge3A_304 : i32
        %convert_element_type3A_306 = arith.extui %ge3A_305 : i1 to i32
        %cond3A_307 = arith.constant 0 : i32
        %cond3A_308 = arith.cmpi ne, %convert_element_type3A_306, %cond3A_307 : i32
        scf.if %cond3A_308 {
          %dma_wait3A_321 = arith.constant 0 : i32
          %dma_wait3A_322 = tpu.memref_slice %arg9[%mul3A_2, %dma_wait3A_321] : memref<65536x1024xf32, #tpu.memory_space<hbm>> -> memref<48x1024xf32, #tpu.memory_space<hbm>>
          %dma_wait3A_323 = arith.constant 0 : i32
          %dma_wait3A_324 = tpu.memref_slice %arg9[%mul3A_2, %dma_wait3A_323] : memref<65536x1024xf32, #tpu.memory_space<hbm>> -> memref<48x1024xf32, #tpu.memory_space<hbm>>
          tpu.wait_dma2 semaphore(%arg22 : memref<!tpu.dma_semaphore, #tpu.memory_space<semaphore_mem>>) src(%dma_wait3A_324 : memref<48x1024xf32, #tpu.memory_space<hbm>>) dst(%arg16 : memref<48x1024xf32, #tpu.memory_space<vmem>>)
        } else {
        }
        %mul3A_309 = arith.constant 48 : i32
        %mul3A_310 = arith.muli %add3A_299, %mul3A_309 : i32
        %add3A_311 = arith.addi %mul3A_114, %mul3A_310 : i32
        %min3A_312 = arith.constant 32720 : i32
        %min3A_313 = arith.minsi %add3A_311, %min3A_312 : i32
        "tpu.region"() ({
          %run_scoped3A = tpu.sem_alloc : memref<!tpu.dma_semaphore, #tpu.memory_space<semaphore_mem>>
          %dma_start3A_321 = tpu.memref_slice %arg4[%min3A_313] : memref<32768xi32, #tpu.memory_space<hbm>> -> memref<48xi32, #tpu.memory_space<hbm>>
          %dma_start3A_322 = tpu.memref_slice %arg4[%min3A_313] : memref<32768xi32, #tpu.memory_space<hbm>> -> memref<48xi32, #tpu.memory_space<hbm>>
          tpu.enqueue_dma source(%dma_start3A_322 : memref<48xi32, #tpu.memory_space<hbm>>) target(%arg13 : memref<48xi32, #tpu.memory_space<vmem>>) target_semaphore(%run_scoped3A : memref<!tpu.dma_semaphore, #tpu.memory_space<semaphore_mem>>)
          %dma_wait3A_323 = tpu.memref_slice %arg4[%min3A_313] : memref<32768xi32, #tpu.memory_space<hbm>> -> memref<48xi32, #tpu.memory_space<hbm>>
          %dma_wait3A_324 = tpu.memref_slice %arg4[%min3A_313] : memref<32768xi32, #tpu.memory_space<hbm>> -> memref<48xi32, #tpu.memory_space<hbm>>
          tpu.wait_dma2 semaphore(%run_scoped3A : memref<!tpu.dma_semaphore, #tpu.memory_space<semaphore_mem>>) src(%dma_wait3A_324 : memref<48xi32, #tpu.memory_space<hbm>>) dst(%arg13 : memref<48xi32, #tpu.memory_space<vmem>>)
          tpu.yield
        }) : () -> ()
        "tpu.region"() ({
          %run_scoped3A = tpu.sem_alloc : memref<!tpu.dma_semaphore, #tpu.memory_space<semaphore_mem>>
          %dma_start3A_321 = tpu.memref_slice %arg5[%min3A_313] : memref<32768xi32, #tpu.memory_space<hbm>> -> memref<48xi32, #tpu.memory_space<hbm>>
          %dma_start3A_322 = tpu.memref_slice %arg5[%min3A_313] : memref<32768xi32, #tpu.memory_space<hbm>> -> memref<48xi32, #tpu.memory_space<hbm>>
          tpu.enqueue_dma source(%dma_start3A_322 : memref<48xi32, #tpu.memory_space<hbm>>) target(%arg14 : memref<48xi32, #tpu.memory_space<vmem>>) target_semaphore(%run_scoped3A : memref<!tpu.dma_semaphore, #tpu.memory_space<semaphore_mem>>)
          %dma_wait3A_323 = tpu.memref_slice %arg5[%min3A_313] : memref<32768xi32, #tpu.memory_space<hbm>> -> memref<48xi32, #tpu.memory_space<hbm>>
          %dma_wait3A_324 = tpu.memref_slice %arg5[%min3A_313] : memref<32768xi32, #tpu.memory_space<hbm>> -> memref<48xi32, #tpu.memory_space<hbm>>
          tpu.wait_dma2 semaphore(%run_scoped3A : memref<!tpu.dma_semaphore, #tpu.memory_space<semaphore_mem>>) src(%dma_wait3A_324 : memref<48xi32, #tpu.memory_space<hbm>>) dst(%arg14 : memref<48xi32, #tpu.memory_space<vmem>>)
          tpu.yield
        }) : () -> ()
        %dma_start3A = arith.constant 0 : i32
        %dma_start3A_314 = arith.constant 0 : i32
        %dma_start3A_315 = tpu.memref_slice %arg2[%dma_start3A, %dma_start3A_314] : memref<32000x1024xf32, #tpu.memory_space<hbm>> -> memref<32000x1024xf32, #tpu.memory_space<hbm>>
        tpu.enqueue_indirect_dma source(%dma_start3A_315 : memref<32000x1024xf32, #tpu.memory_space<hbm>>) target(%arg16 : memref<48x1024xf32, #tpu.memory_space<vmem>>) offsets(%arg13 : memref<48xi32, #tpu.memory_space<vmem>>) semaphore(%arg20 : memref<!tpu.dma_semaphore, #tpu.memory_space<semaphore_mem>>)
        %dma_wait3A = arith.constant 0 : i32
        %dma_wait3A_316 = arith.constant 0 : i32
        %dma_wait3A_317 = tpu.memref_slice %arg2[%dma_wait3A, %dma_wait3A_316] : memref<32000x1024xf32, #tpu.memory_space<hbm>> -> memref<32000x1024xf32, #tpu.memory_space<hbm>>
        tpu.wait_indirect_dma semaphore(%arg20 : memref<!tpu.dma_semaphore, #tpu.memory_space<semaphore_mem>>) src(%dma_wait3A_317 : memref<32000x1024xf32, #tpu.memory_space<hbm>>) dst(%arg16 : memref<48x1024xf32, #tpu.memory_space<vmem>>)
        %dma_start3A_318 = arith.constant 0 : i32
        %dma_start3A_319 = arith.constant 0 : i32
        %dma_start3A_320 = tpu.memref_slice %arg9[%dma_start3A_318, %dma_start3A_319] : memref<65536x1024xf32, #tpu.memory_space<hbm>> -> memref<65536x1024xf32, #tpu.memory_space<hbm>>
        tpu.enqueue_indirect_dma source(%arg16 : memref<48x1024xf32, #tpu.memory_space<vmem>>) target(%dma_start3A_320 : memref<65536x1024xf32, #tpu.memory_space<hbm>>) offsets(%arg14 : memref<48xi32, #tpu.memory_space<vmem>>) semaphore(%arg22 : memref<!tpu.dma_semaphore, #tpu.memory_space<semaphore_mem>>)
      } else {
      }
    }
    %while3A_179 = arith.constant 1 : i32
    scf.for %while3A_290 = %while3A_177 to %while3A_173 step %while3A_179  : i32 {
      %mul3A_291 = arith.constant 2 : i32
      %mul3A_292 = arith.muli %mul3A_291, %while3A_290 : i32
      %lt3A = arith.cmpi slt, %mul3A_292, %select_n3A_143 : i32
      %convert_element_type3A_293 = arith.extui %lt3A : i1 to i32
      %cond3A_294 = arith.constant 0 : i32
      %cond3A_295 = arith.cmpi ne, %convert_element_type3A_293, %cond3A_294 : i32
      scf.if %cond3A_295 {
        %ge3A_304 = arith.constant 2 : i32
        %ge3A_305 = arith.cmpi sge, %mul3A_292, %ge3A_304 : i32
        %convert_element_type3A_306 = arith.extui %ge3A_305 : i1 to i32
        %cond3A_307 = arith.constant 0 : i32
        %cond3A_308 = arith.cmpi ne, %convert_element_type3A_306, %cond3A_307 : i32
        scf.if %cond3A_308 {
          %dma_wait3A_321 = arith.constant 0 : i32
          %dma_wait3A_322 = tpu.memref_slice %arg9[%mul3A_2, %dma_wait3A_321] : memref<65536x1024xf32, #tpu.memory_space<hbm>> -> memref<48x1024xf32, #tpu.memory_space<hbm>>
          %dma_wait3A_323 = arith.constant 0 : i32
          %dma_wait3A_324 = tpu.memref_slice %arg9[%mul3A_2, %dma_wait3A_323] : memref<65536x1024xf32, #tpu.memory_space<hbm>> -> memref<48x1024xf32, #tpu.memory_space<hbm>>
          tpu.wait_dma2 semaphore(%arg21 : memref<!tpu.dma_semaphore, #tpu.memory_space<semaphore_mem>>) src(%dma_wait3A_324 : memref<48x1024xf32, #tpu.memory_space<hbm>>) dst(%arg15 : memref<48x1024xf32, #tpu.memory_space<vmem>>)
        } else {
        }
        %mul3A_309 = arith.constant 48 : i32
        %mul3A_310 = arith.muli %mul3A_292, %mul3A_309 : i32
        %add3A_311 = arith.addi %mul3A_114, %mul3A_310 : i32
        %min3A_312 = arith.constant 32720 : i32
        %min3A_313 = arith.minsi %add3A_311, %min3A_312 : i32
        "tpu.region"() ({
          %run_scoped3A = tpu.sem_alloc : memref<!tpu.dma_semaphore, #tpu.memory_space<semaphore_mem>>
          %dma_start3A_321 = tpu.memref_slice %arg4[%min3A_313] : memref<32768xi32, #tpu.memory_space<hbm>> -> memref<48xi32, #tpu.memory_space<hbm>>
          %dma_start3A_322 = tpu.memref_slice %arg4[%min3A_313] : memref<32768xi32, #tpu.memory_space<hbm>> -> memref<48xi32, #tpu.memory_space<hbm>>
          tpu.enqueue_dma source(%dma_start3A_322 : memref<48xi32, #tpu.memory_space<hbm>>) target(%arg11 : memref<48xi32, #tpu.memory_space<vmem>>) target_semaphore(%run_scoped3A : memref<!tpu.dma_semaphore, #tpu.memory_space<semaphore_mem>>)
          %dma_wait3A_323 = tpu.memref_slice %arg4[%min3A_313] : memref<32768xi32, #tpu.memory_space<hbm>> -> memref<48xi32, #tpu.memory_space<hbm>>
          %dma_wait3A_324 = tpu.memref_slice %arg4[%min3A_313] : memref<32768xi32, #tpu.memory_space<hbm>> -> memref<48xi32, #tpu.memory_space<hbm>>
          tpu.wait_dma2 semaphore(%run_scoped3A : memref<!tpu.dma_semaphore, #tpu.memory_space<semaphore_mem>>) src(%dma_wait3A_324 : memref<48xi32, #tpu.memory_space<hbm>>) dst(%arg11 : memref<48xi32, #tpu.memory_space<vmem>>)
          tpu.yield
        }) : () -> ()
        "tpu.region"() ({
          %run_scoped3A = tpu.sem_alloc : memref<!tpu.dma_semaphore, #tpu.memory_space<semaphore_mem>>
          %dma_start3A_321 = tpu.memref_slice %arg5[%min3A_313] : memref<32768xi32, #tpu.memory_space<hbm>> -> memref<48xi32, #tpu.memory_space<hbm>>
          %dma_start3A_322 = tpu.memref_slice %arg5[%min3A_313] : memref<32768xi32, #tpu.memory_space<hbm>> -> memref<48xi32, #tpu.memory_space<hbm>>
          tpu.enqueue_dma source(%dma_start3A_322 : memref<48xi32, #tpu.memory_space<hbm>>) target(%arg12 : memref<48xi32, #tpu.memory_space<vmem>>) target_semaphore(%run_scoped3A : memref<!tpu.dma_semaphore, #tpu.memory_space<semaphore_mem>>)
          %dma_wait3A_323 = tpu.memref_slice %arg5[%min3A_313] : memref<32768xi32, #tpu.memory_space<hbm>> -> memref<48xi32, #tpu.memory_space<hbm>>
          %dma_wait3A_324 = tpu.memref_slice %arg5[%min3A_313] : memref<32768xi32, #tpu.memory_space<hbm>> -> memref<48xi32, #tpu.memory_space<hbm>>
          tpu.wait_dma2 semaphore(%run_scoped3A : memref<!tpu.dma_semaphore, #tpu.memory_space<semaphore_mem>>) src(%dma_wait3A_324 : memref<48xi32, #tpu.memory_space<hbm>>) dst(%arg12 : memref<48xi32, #tpu.memory_space<vmem>>)
          tpu.yield
        }) : () -> ()
        %dma_start3A = arith.constant 0 : i32
        %dma_start3A_314 = arith.constant 0 : i32
        %dma_start3A_315 = tpu.memref_slice %arg2[%dma_start3A, %dma_start3A_314] : memref<32000x1024xf32, #tpu.memory_space<hbm>> -> memref<32000x1024xf32, #tpu.memory_space<hbm>>
        tpu.enqueue_indirect_dma source(%dma_start3A_315 : memref<32000x1024xf32, #tpu.memory_space<hbm>>) target(%arg15 : memref<48x1024xf32, #tpu.memory_space<vmem>>) offsets(%arg11 : memref<48xi32, #tpu.memory_space<vmem>>) semaphore(%arg19 : memref<!tpu.dma_semaphore, #tpu.memory_space<semaphore_mem>>)
        %dma_wait3A = arith.constant 0 : i32
        %dma_wait3A_316 = arith.constant 0 : i32
        %dma_wait3A_317 = tpu.memref_slice %arg2[%dma_wait3A, %dma_wait3A_316] : memref<32000x1024xf32, #tpu.memory_space<hbm>> -> memref<32000x1024xf32, #tpu.memory_space<hbm>>
        tpu.wait_indirect_dma semaphore(%arg19 : memref<!tpu.dma_semaphore, #tpu.memory_space<semaphore_mem>>) src(%dma_wait3A_317 : memref<32000x1024xf32, #tpu.memory_space<hbm>>) dst(%arg15 : memref<48x1024xf32, #tpu.memory_space<vmem>>)
        %dma_start3A_318 = arith.constant 0 : i32
        %dma_start3A_319 = arith.constant 0 : i32
        %dma_start3A_320 = tpu.memref_slice %arg9[%dma_start3A_318, %dma_start3A_319] : memref<65536x1024xf32, #tpu.memory_space<hbm>> -> memref<65536x1024xf32, #tpu.memory_space<hbm>>
        tpu.enqueue_indirect_dma source(%arg15 : memref<48x1024xf32, #tpu.memory_space<vmem>>) target(%dma_start3A_320 : memref<65536x1024xf32, #tpu.memory_space<hbm>>) offsets(%arg12 : memref<48xi32, #tpu.memory_space<vmem>>) semaphore(%arg21 : memref<!tpu.dma_semaphore, #tpu.memory_space<semaphore_mem>>)
      } else {
      }
      %mul3A_296 = arith.constant 2 : i32
      %mul3A_297 = arith.muli %mul3A_296, %while3A_290 : i32
      %add3A_298 = arith.constant 1 : i32
      %add3A_299 = arith.addi %mul3A_297, %add3A_298 : i32
      %lt3A_300 = arith.cmpi slt, %add3A_299, %select_n3A_143 : i32
      %convert_element_type3A_301 = arith.extui %lt3A_300 : i1 to i32
      %cond3A_302 = arith.constant 0 : i32
      %cond3A_303 = arith.cmpi ne, %convert_element_type3A_301, %cond3A_302 : i32
      scf.if %cond3A_303 {
        %ge3A_304 = arith.constant 2 : i32
        %ge3A_305 = arith.cmpi sge, %add3A_299, %ge3A_304 : i32
        %convert_element_type3A_306 = arith.extui %ge3A_305 : i1 to i32
        %cond3A_307 = arith.constant 0 : i32
        %cond3A_308 = arith.cmpi ne, %convert_element_type3A_306, %cond3A_307 : i32
        scf.if %cond3A_308 {
          %dma_wait3A_321 = arith.constant 0 : i32
          %dma_wait3A_322 = tpu.memref_slice %arg9[%mul3A_2, %dma_wait3A_321] : memref<65536x1024xf32, #tpu.memory_space<hbm>> -> memref<48x1024xf32, #tpu.memory_space<hbm>>
          %dma_wait3A_323 = arith.constant 0 : i32
          %dma_wait3A_324 = tpu.memref_slice %arg9[%mul3A_2, %dma_wait3A_323] : memref<65536x1024xf32, #tpu.memory_space<hbm>> -> memref<48x1024xf32, #tpu.memory_space<hbm>>
          tpu.wait_dma2 semaphore(%arg22 : memref<!tpu.dma_semaphore, #tpu.memory_space<semaphore_mem>>) src(%dma_wait3A_324 : memref<48x1024xf32, #tpu.memory_space<hbm>>) dst(%arg16 : memref<48x1024xf32, #tpu.memory_space<vmem>>)
        } else {
        }
        %mul3A_309 = arith.constant 48 : i32
        %mul3A_310 = arith.muli %add3A_299, %mul3A_309 : i32
        %add3A_311 = arith.addi %mul3A_114, %mul3A_310 : i32
        %min3A_312 = arith.constant 32720 : i32
        %min3A_313 = arith.minsi %add3A_311, %min3A_312 : i32
        "tpu.region"() ({
          %run_scoped3A = tpu.sem_alloc : memref<!tpu.dma_semaphore, #tpu.memory_space<semaphore_mem>>
          %dma_start3A_321 = tpu.memref_slice %arg4[%min3A_313] : memref<32768xi32, #tpu.memory_space<hbm>> -> memref<48xi32, #tpu.memory_space<hbm>>
          %dma_start3A_322 = tpu.memref_slice %arg4[%min3A_313] : memref<32768xi32, #tpu.memory_space<hbm>> -> memref<48xi32, #tpu.memory_space<hbm>>
          tpu.enqueue_dma source(%dma_start3A_322 : memref<48xi32, #tpu.memory_space<hbm>>) target(%arg13 : memref<48xi32, #tpu.memory_space<vmem>>) target_semaphore(%run_scoped3A : memref<!tpu.dma_semaphore, #tpu.memory_space<semaphore_mem>>)
          %dma_wait3A_323 = tpu.memref_slice %arg4[%min3A_313] : memref<32768xi32, #tpu.memory_space<hbm>> -> memref<48xi32, #tpu.memory_space<hbm>>
          %dma_wait3A_324 = tpu.memref_slice %arg4[%min3A_313] : memref<32768xi32, #tpu.memory_space<hbm>> -> memref<48xi32, #tpu.memory_space<hbm>>
          tpu.wait_dma2 semaphore(%run_scoped3A : memref<!tpu.dma_semaphore, #tpu.memory_space<semaphore_mem>>) src(%dma_wait3A_324 : memref<48xi32, #tpu.memory_space<hbm>>) dst(%arg13 : memref<48xi32, #tpu.memory_space<vmem>>)
          tpu.yield
        }) : () -> ()
        "tpu.region"() ({
          %run_scoped3A = tpu.sem_alloc : memref<!tpu.dma_semaphore, #tpu.memory_space<semaphore_mem>>
          %dma_start3A_321 = tpu.memref_slice %arg5[%min3A_313] : memref<32768xi32, #tpu.memory_space<hbm>> -> memref<48xi32, #tpu.memory_space<hbm>>
          %dma_start3A_322 = tpu.memref_slice %arg5[%min3A_313] : memref<32768xi32, #tpu.memory_space<hbm>> -> memref<48xi32, #tpu.memory_space<hbm>>
          tpu.enqueue_dma source(%dma_start3A_322 : memref<48xi32, #tpu.memory_space<hbm>>) target(%arg14 : memref<48xi32, #tpu.memory_space<vmem>>) target_semaphore(%run_scoped3A : memref<!tpu.dma_semaphore, #tpu.memory_space<semaphore_mem>>)
          %dma_wait3A_323 = tpu.memref_slice %arg5[%min3A_313] : memref<32768xi32, #tpu.memory_space<hbm>> -> memref<48xi32, #tpu.memory_space<hbm>>
          %dma_wait3A_324 = tpu.memref_slice %arg5[%min3A_313] : memref<32768xi32, #tpu.memory_space<hbm>> -> memref<48xi32, #tpu.memory_space<hbm>>
          tpu.wait_dma2 semaphore(%run_scoped3A : memref<!tpu.dma_semaphore, #tpu.memory_space<semaphore_mem>>) src(%dma_wait3A_324 : memref<48xi32, #tpu.memory_space<hbm>>) dst(%arg14 : memref<48xi32, #tpu.memory_space<vmem>>)
          tpu.yield
        }) : () -> ()
        %dma_start3A = arith.constant 0 : i32
        %dma_start3A_314 = arith.constant 0 : i32
        %dma_start3A_315 = tpu.memref_slice %arg2[%dma_start3A, %dma_start3A_314] : memref<32000x1024xf32, #tpu.memory_space<hbm>> -> memref<32000x1024xf32, #tpu.memory_space<hbm>>
        tpu.enqueue_indirect_dma source(%dma_start3A_315 : memref<32000x1024xf32, #tpu.memory_space<hbm>>) target(%arg16 : memref<48x1024xf32, #tpu.memory_space<vmem>>) offsets(%arg13 : memref<48xi32, #tpu.memory_space<vmem>>) semaphore(%arg20 : memref<!tpu.dma_semaphore, #tpu.memory_space<semaphore_mem>>)
        %dma_wait3A = arith.constant 0 : i32
        %dma_wait3A_316 = arith.constant 0 : i32
        %dma_wait3A_317 = tpu.memref_slice %arg2[%dma_wait3A, %dma_wait3A_316] : memref<32000x1024xf32, #tpu.memory_space<hbm>> -> memref<32000x1024xf32, #tpu.memory_space<hbm>>
        tpu.wait_indirect_dma semaphore(%arg20 : memref<!tpu.dma_semaphore, #tpu.memory_space<semaphore_mem>>) src(%dma_wait3A_317 : memref<32000x1024xf32, #tpu.memory_space<hbm>>) dst(%arg16 : memref<48x1024xf32, #tpu.memory_space<vmem>>)
        %dma_start3A_318 = arith.constant 0 : i32
        %dma_start3A_319 = arith.constant 0 : i32
        %dma_start3A_320 = tpu.memref_slice %arg9[%dma_start3A_318, %dma_start3A_319] : memref<65536x1024xf32, #tpu.memory_space<hbm>> -> memref<65536x1024xf32, #tpu.memory_space<hbm>>
        tpu.enqueue_indirect_dma source(%arg16 : memref<48x1024xf32, #tpu.memory_space<vmem>>) target(%dma_start3A_320 : memref<65536x1024xf32, #tpu.memory_space<hbm>>) offsets(%arg14 : memref<48xi32, #tpu.memory_space<vmem>>) semaphore(%arg22 : memref<!tpu.dma_semaphore, #tpu.memory_space<semaphore_mem>>)
      } else {
      }
    }
    %ge3A = arith.constant 1 : i32
    %ge3A_180 = arith.cmpi sge, %select_n3A_143, %ge3A : i32
    %convert_element_type3A_181 = arith.extui %ge3A_180 : i1 to i32
    %cond3A_182 = arith.constant 0 : i32
    %cond3A_183 = arith.cmpi ne, %convert_element_type3A_181, %cond3A_182 : i32
    scf.if %cond3A_183 {
      %dma_wait3A = arith.constant 0 : i32
      %dma_wait3A_290 = tpu.memref_slice %arg9[%mul3A_2, %dma_wait3A] : memref<65536x1024xf32, #tpu.memory_space<hbm>> -> memref<48x1024xf32, #tpu.memory_space<hbm>>
      %dma_wait3A_291 = arith.constant 0 : i32
      %dma_wait3A_292 = tpu.memref_slice %arg9[%mul3A_2, %dma_wait3A_291] : memref<65536x1024xf32, #tpu.memory_space<hbm>> -> memref<48x1024xf32, #tpu.memory_space<hbm>>
      tpu.wait_dma2 semaphore(%arg21 : memref<!tpu.dma_semaphore, #tpu.memory_space<semaphore_mem>>) src(%dma_wait3A_292 : memref<48x1024xf32, #tpu.memory_space<hbm>>) dst(%arg15 : memref<48x1024xf32, #tpu.memory_space<vmem>>)
    } else {
    }
    %ge3A_184 = arith.constant 2 : i32
    %ge3A_185 = arith.cmpi sge, %select_n3A_143, %ge3A_184 : i32
    %convert_element_type3A_186 = arith.extui %ge3A_185 : i1 to i32
    %cond3A_187 = arith.constant 0 : i32
    %cond3A_188 = arith.cmpi ne, %convert_element_type3A_186, %cond3A_187 : i32
    scf.if %cond3A_188 {
      %dma_wait3A = arith.constant 0 : i32
      %dma_wait3A_290 = tpu.memref_slice %arg9[%mul3A_2, %dma_wait3A] : memref<65536x1024xf32, #tpu.memory_space<hbm>> -> memref<48x1024xf32, #tpu.memory_space<hbm>>
      %dma_wait3A_291 = arith.constant 0 : i32
      %dma_wait3A_292 = tpu.memref_slice %arg9[%mul3A_2, %dma_wait3A_291] : memref<65536x1024xf32, #tpu.memory_space<hbm>> -> memref<48x1024xf32, #tpu.memory_space<hbm>>
      tpu.wait_dma2 semaphore(%arg22 : memref<!tpu.dma_semaphore, #tpu.memory_space<semaphore_mem>>) src(%dma_wait3A_292 : memref<48x1024xf32, #tpu.memory_space<hbm>>) dst(%arg16 : memref<48x1024xf32, #tpu.memory_space<vmem>>)
    } else {
    }
    %jit3A_189 = arith.constant 8 : i32
    %div3A_190 = arith.divsi %squeeze3A_10, %jit3A_189 : i32
    %sign3A_191 = arith.constant 0 : i32
    %sign3A_192 = arith.cmpi sgt, %squeeze3A_10, %sign3A_191 : i32
    %sign3A_193 = arith.extui %sign3A_192 : i1 to i32
    %sign3A_194 = arith.constant 0 : i32
    %sign3A_195 = arith.cmpi slt, %squeeze3A_10, %sign3A_194 : i32
    %sign3A_196 = arith.extui %sign3A_195 : i1 to i32
    %sign3A_197 = arith.subi %sign3A_193, %sign3A_196 : i32
    %sign3A_198 = arith.constant 0 : i32
    %sign3A_199 = arith.cmpi sgt, %jit3A_189, %sign3A_198 : i32
    %sign3A_200 = arith.extui %sign3A_199 : i1 to i32
    %sign3A_201 = arith.constant 0 : i32
    %sign3A_202 = arith.cmpi slt, %jit3A_189, %sign3A_201 : i32
    %sign3A_203 = arith.extui %sign3A_202 : i1 to i32
    %sign3A_204 = arith.subi %sign3A_200, %sign3A_203 : i32
    %ne3A_205 = arith.cmpi ne, %sign3A_197, %sign3A_204 : i32
    %rem3A_206 = arith.remsi %squeeze3A_10, %jit3A_189 : i32
    %ne3A_207 = arith.constant 0 : i32
    %ne3A_208 = arith.cmpi ne, %rem3A_206, %ne3A_207 : i32
    %and3A_209 = arith.andi %ne3A_205, %ne3A_208 : i1
    %sub3A_210 = arith.constant 1 : i32
    %sub3A_211 = arith.subi %div3A_190, %sub3A_210 : i32
    %select_n3A_212 = arith.select %and3A_209, %sub3A_211, %div3A_190 : i32
    %mul3A_213 = arith.constant 8 : i32
    %mul3A_214 = arith.muli %select_n3A_212, %mul3A_213 : i32
    %sub3A_215 = arith.subi %squeeze3A_12, %mul3A_214 : i32
    %add3A_216 = arith.constant 48 : i32
    %add3A_217 = arith.addi %sub3A_215, %add3A_216 : i32
    %sub3A_218 = arith.constant 1 : i32
    %sub3A_219 = arith.subi %add3A_217, %sub3A_218 : i32
    %jit3A_220 = arith.constant 48 : i32
    %div3A_221 = arith.divsi %sub3A_219, %jit3A_220 : i32
    %sign3A_222 = arith.constant 0 : i32
    %sign3A_223 = arith.cmpi sgt, %sub3A_219, %sign3A_222 : i32
    %sign3A_224 = arith.extui %sign3A_223 : i1 to i32
    %sign3A_225 = arith.constant 0 : i32
    %sign3A_226 = arith.cmpi slt, %sub3A_219, %sign3A_225 : i32
    %sign3A_227 = arith.extui %sign3A_226 : i1 to i32
    %sign3A_228 = arith.subi %sign3A_224, %sign3A_227 : i32
    %sign3A_229 = arith.constant 0 : i32
    %sign3A_230 = arith.cmpi sgt, %jit3A_220, %sign3A_229 : i32
    %sign3A_231 = arith.extui %sign3A_230 : i1 to i32
    %sign3A_232 = arith.constant 0 : i32
    %sign3A_233 = arith.cmpi slt, %jit3A_220, %sign3A_232 : i32
    %sign3A_234 = arith.extui %sign3A_233 : i1 to i32
    %sign3A_235 = arith.subi %sign3A_231, %sign3A_234 : i32
    %ne3A_236 = arith.cmpi ne, %sign3A_228, %sign3A_235 : i32
    %rem3A_237 = arith.remsi %sub3A_219, %jit3A_220 : i32
    %ne3A_238 = arith.constant 0 : i32
    %ne3A_239 = arith.cmpi ne, %rem3A_237, %ne3A_238 : i32
    %and3A_240 = arith.andi %ne3A_236, %ne3A_239 : i1
    %sub3A_241 = arith.constant 1 : i32
    %sub3A_242 = arith.subi %div3A_221, %sub3A_241 : i32
    %select_n3A_243 = arith.select %and3A_240, %sub3A_242, %div3A_221 : i32
    %add3A_244 = arith.constant 1 : i32
    %add3A_245 = arith.addi %select_n3A_243, %add3A_244 : i32
    %jit3A_246 = arith.constant 2 : i32
    %div3A_247 = arith.divsi %add3A_245, %jit3A_246 : i32
    %sign3A_248 = arith.constant 0 : i32
    %sign3A_249 = arith.cmpi sgt, %add3A_245, %sign3A_248 : i32
    %sign3A_250 = arith.extui %sign3A_249 : i1 to i32
    %sign3A_251 = arith.constant 0 : i32
    %sign3A_252 = arith.cmpi slt, %add3A_245, %sign3A_251 : i32
    %sign3A_253 = arith.extui %sign3A_252 : i1 to i32
    %sign3A_254 = arith.subi %sign3A_250, %sign3A_253 : i32
    %sign3A_255 = arith.constant 0 : i32
    %sign3A_256 = arith.cmpi sgt, %jit3A_246, %sign3A_255 : i32
    %sign3A_257 = arith.extui %sign3A_256 : i1 to i32
    %sign3A_258 = arith.constant 0 : i32
    %sign3A_259 = arith.cmpi slt, %jit3A_246, %sign3A_258 : i32
    %sign3A_260 = arith.extui %sign3A_259 : i1 to i32
    %sign3A_261 = arith.subi %sign3A_257, %sign3A_260 : i32
    %ne3A_262 = arith.cmpi ne, %sign3A_254, %sign3A_261 : i32
    %rem3A_263 = arith.remsi %add3A_245, %jit3A_246 : i32
    %ne3A_264 = arith.constant 0 : i32
    %ne3A_265 = arith.cmpi ne, %rem3A_263, %ne3A_264 : i32
    %and3A_266 = arith.andi %ne3A_262, %ne3A_265 : i1
    %sub3A_267 = arith.constant 1 : i32
    %sub3A_268 = arith.subi %div3A_247, %sub3A_267 : i32
    %select_n3A_269 = arith.select %and3A_266, %sub3A_268, %div3A_247 : i32
    %while3A_270 = arith.constant 0 : i32
    %while3A_271 = arith.constant 0 : i32
    %while3A_272 = arith.subi %select_n3A_269, %while3A_271 : i32
    %while3A_273 = arith.addi %while3A_271, %while3A_272 : i32
    %while3A_274 = arith.constant 1 : i32
    %while3A_275 = arith.divsi %while3A_272, %while3A_274 : i32
    %while3A_276 = arith.muli %while3A_275, %while3A_274 : i32
    %while3A_277 = arith.addi %while3A_271, %while3A_276 : i32
    %while3A_278 = arith.constant 1 : i32
    scf.for %while3A_290 = %while3A_271 to %while3A_277 step %while3A_278  : i32 {
      %mul3A_291 = arith.constant 2 : i32
      %mul3A_292 = arith.muli %mul3A_291, %while3A_290 : i32
      %lt3A = arith.cmpi slt, %mul3A_292, %select_n3A_243 : i32
      %convert_element_type3A_293 = arith.extui %lt3A : i1 to i32
      %cond3A_294 = arith.constant 0 : i32
      %cond3A_295 = arith.cmpi ne, %convert_element_type3A_293, %cond3A_294 : i32
      scf.if %cond3A_295 {
        %ge3A_304 = arith.constant 2 : i32
        %ge3A_305 = arith.cmpi sge, %mul3A_292, %ge3A_304 : i32
        %convert_element_type3A_306 = arith.extui %ge3A_305 : i1 to i32
        %cond3A_307 = arith.constant 0 : i32
        %cond3A_308 = arith.cmpi ne, %convert_element_type3A_306, %cond3A_307 : i32
        scf.if %cond3A_308 {
          %dma_wait3A_321 = arith.constant 0 : i32
          %dma_wait3A_322 = tpu.memref_slice %arg9[%mul3A_2, %dma_wait3A_321] : memref<65536x1024xf32, #tpu.memory_space<hbm>> -> memref<48x1024xf32, #tpu.memory_space<hbm>>
          %dma_wait3A_323 = arith.constant 0 : i32
          %dma_wait3A_324 = tpu.memref_slice %arg9[%mul3A_2, %dma_wait3A_323] : memref<65536x1024xf32, #tpu.memory_space<hbm>> -> memref<48x1024xf32, #tpu.memory_space<hbm>>
          tpu.wait_dma2 semaphore(%arg21 : memref<!tpu.dma_semaphore, #tpu.memory_space<semaphore_mem>>) src(%dma_wait3A_324 : memref<48x1024xf32, #tpu.memory_space<hbm>>) dst(%arg15 : memref<48x1024xf32, #tpu.memory_space<vmem>>)
        } else {
        }
        %mul3A_309 = arith.constant 48 : i32
        %mul3A_310 = arith.muli %mul3A_292, %mul3A_309 : i32
        %add3A_311 = arith.addi %mul3A_214, %mul3A_310 : i32
        %min3A_312 = arith.constant 32720 : i32
        %min3A_313 = arith.minsi %add3A_311, %min3A_312 : i32
        "tpu.region"() ({
          %run_scoped3A = tpu.sem_alloc : memref<!tpu.dma_semaphore, #tpu.memory_space<semaphore_mem>>
          %dma_start3A_321 = tpu.memref_slice %arg6[%min3A_313] : memref<32768xi32, #tpu.memory_space<hbm>> -> memref<48xi32, #tpu.memory_space<hbm>>
          %dma_start3A_322 = tpu.memref_slice %arg6[%min3A_313] : memref<32768xi32, #tpu.memory_space<hbm>> -> memref<48xi32, #tpu.memory_space<hbm>>
          tpu.enqueue_dma source(%dma_start3A_322 : memref<48xi32, #tpu.memory_space<hbm>>) target(%arg11 : memref<48xi32, #tpu.memory_space<vmem>>) target_semaphore(%run_scoped3A : memref<!tpu.dma_semaphore, #tpu.memory_space<semaphore_mem>>)
          %dma_wait3A_323 = tpu.memref_slice %arg6[%min3A_313] : memref<32768xi32, #tpu.memory_space<hbm>> -> memref<48xi32, #tpu.memory_space<hbm>>
          %dma_wait3A_324 = tpu.memref_slice %arg6[%min3A_313] : memref<32768xi32, #tpu.memory_space<hbm>> -> memref<48xi32, #tpu.memory_space<hbm>>
          tpu.wait_dma2 semaphore(%run_scoped3A : memref<!tpu.dma_semaphore, #tpu.memory_space<semaphore_mem>>) src(%dma_wait3A_324 : memref<48xi32, #tpu.memory_space<hbm>>) dst(%arg11 : memref<48xi32, #tpu.memory_space<vmem>>)
          tpu.yield
        }) : () -> ()
        "tpu.region"() ({
          %run_scoped3A = tpu.sem_alloc : memref<!tpu.dma_semaphore, #tpu.memory_space<semaphore_mem>>
          %dma_start3A_321 = tpu.memref_slice %arg7[%min3A_313] : memref<32768xi32, #tpu.memory_space<hbm>> -> memref<48xi32, #tpu.memory_space<hbm>>
          %dma_start3A_322 = tpu.memref_slice %arg7[%min3A_313] : memref<32768xi32, #tpu.memory_space<hbm>> -> memref<48xi32, #tpu.memory_space<hbm>>
          tpu.enqueue_dma source(%dma_start3A_322 : memref<48xi32, #tpu.memory_space<hbm>>) target(%arg12 : memref<48xi32, #tpu.memory_space<vmem>>) target_semaphore(%run_scoped3A : memref<!tpu.dma_semaphore, #tpu.memory_space<semaphore_mem>>)
          %dma_wait3A_323 = tpu.memref_slice %arg7[%min3A_313] : memref<32768xi32, #tpu.memory_space<hbm>> -> memref<48xi32, #tpu.memory_space<hbm>>
          %dma_wait3A_324 = tpu.memref_slice %arg7[%min3A_313] : memref<32768xi32, #tpu.memory_space<hbm>> -> memref<48xi32, #tpu.memory_space<hbm>>
          tpu.wait_dma2 semaphore(%run_scoped3A : memref<!tpu.dma_semaphore, #tpu.memory_space<semaphore_mem>>) src(%dma_wait3A_324 : memref<48xi32, #tpu.memory_space<hbm>>) dst(%arg12 : memref<48xi32, #tpu.memory_space<vmem>>)
          tpu.yield
        }) : () -> ()
        %dma_start3A = arith.constant 0 : i32
        %dma_start3A_314 = arith.constant 0 : i32
        %dma_start3A_315 = tpu.memref_slice %arg3[%dma_start3A, %dma_start3A_314] : memref<8192x1024xf32, #tpu.memory_space<hbm>> -> memref<8192x1024xf32, #tpu.memory_space<hbm>>
        tpu.enqueue_indirect_dma source(%dma_start3A_315 : memref<8192x1024xf32, #tpu.memory_space<hbm>>) target(%arg15 : memref<48x1024xf32, #tpu.memory_space<vmem>>) offsets(%arg11 : memref<48xi32, #tpu.memory_space<vmem>>) semaphore(%arg19 : memref<!tpu.dma_semaphore, #tpu.memory_space<semaphore_mem>>)
        %dma_wait3A = arith.constant 0 : i32
        %dma_wait3A_316 = arith.constant 0 : i32
        %dma_wait3A_317 = tpu.memref_slice %arg3[%dma_wait3A, %dma_wait3A_316] : memref<8192x1024xf32, #tpu.memory_space<hbm>> -> memref<8192x1024xf32, #tpu.memory_space<hbm>>
        tpu.wait_indirect_dma semaphore(%arg19 : memref<!tpu.dma_semaphore, #tpu.memory_space<semaphore_mem>>) src(%dma_wait3A_317 : memref<8192x1024xf32, #tpu.memory_space<hbm>>) dst(%arg15 : memref<48x1024xf32, #tpu.memory_space<vmem>>)
        %dma_start3A_318 = arith.constant 0 : i32
        %dma_start3A_319 = arith.constant 0 : i32
        %dma_start3A_320 = tpu.memref_slice %arg9[%dma_start3A_318, %dma_start3A_319] : memref<65536x1024xf32, #tpu.memory_space<hbm>> -> memref<65536x1024xf32, #tpu.memory_space<hbm>>
        tpu.enqueue_indirect_dma source(%arg15 : memref<48x1024xf32, #tpu.memory_space<vmem>>) target(%dma_start3A_320 : memref<65536x1024xf32, #tpu.memory_space<hbm>>) offsets(%arg12 : memref<48xi32, #tpu.memory_space<vmem>>) semaphore(%arg21 : memref<!tpu.dma_semaphore, #tpu.memory_space<semaphore_mem>>)
      } else {
      }
      %mul3A_296 = arith.constant 2 : i32
      %mul3A_297 = arith.muli %mul3A_296, %while3A_290 : i32
      %add3A_298 = arith.constant 1 : i32
      %add3A_299 = arith.addi %mul3A_297, %add3A_298 : i32
      %lt3A_300 = arith.cmpi slt, %add3A_299, %select_n3A_243 : i32
      %convert_element_type3A_301 = arith.extui %lt3A_300 : i1 to i32
      %cond3A_302 = arith.constant 0 : i32
      %cond3A_303 = arith.cmpi ne, %convert_element_type3A_301, %cond3A_302 : i32
      scf.if %cond3A_303 {
        %ge3A_304 = arith.constant 2 : i32
        %ge3A_305 = arith.cmpi sge, %add3A_299, %ge3A_304 : i32
        %convert_element_type3A_306 = arith.extui %ge3A_305 : i1 to i32
        %cond3A_307 = arith.constant 0 : i32
        %cond3A_308 = arith.cmpi ne, %convert_element_type3A_306, %cond3A_307 : i32
        scf.if %cond3A_308 {
          %dma_wait3A_321 = arith.constant 0 : i32
          %dma_wait3A_322 = tpu.memref_slice %arg9[%mul3A_2, %dma_wait3A_321] : memref<65536x1024xf32, #tpu.memory_space<hbm>> -> memref<48x1024xf32, #tpu.memory_space<hbm>>
          %dma_wait3A_323 = arith.constant 0 : i32
          %dma_wait3A_324 = tpu.memref_slice %arg9[%mul3A_2, %dma_wait3A_323] : memref<65536x1024xf32, #tpu.memory_space<hbm>> -> memref<48x1024xf32, #tpu.memory_space<hbm>>
          tpu.wait_dma2 semaphore(%arg22 : memref<!tpu.dma_semaphore, #tpu.memory_space<semaphore_mem>>) src(%dma_wait3A_324 : memref<48x1024xf32, #tpu.memory_space<hbm>>) dst(%arg16 : memref<48x1024xf32, #tpu.memory_space<vmem>>)
        } else {
        }
        %mul3A_309 = arith.constant 48 : i32
        %mul3A_310 = arith.muli %add3A_299, %mul3A_309 : i32
        %add3A_311 = arith.addi %mul3A_214, %mul3A_310 : i32
        %min3A_312 = arith.constant 32720 : i32
        %min3A_313 = arith.minsi %add3A_311, %min3A_312 : i32
        "tpu.region"() ({
          %run_scoped3A = tpu.sem_alloc : memref<!tpu.dma_semaphore, #tpu.memory_space<semaphore_mem>>
          %dma_start3A_321 = tpu.memref_slice %arg6[%min3A_313] : memref<32768xi32, #tpu.memory_space<hbm>> -> memref<48xi32, #tpu.memory_space<hbm>>
          %dma_start3A_322 = tpu.memref_slice %arg6[%min3A_313] : memref<32768xi32, #tpu.memory_space<hbm>> -> memref<48xi32, #tpu.memory_space<hbm>>
          tpu.enqueue_dma source(%dma_start3A_322 : memref<48xi32, #tpu.memory_space<hbm>>) target(%arg13 : memref<48xi32, #tpu.memory_space<vmem>>) target_semaphore(%run_scoped3A : memref<!tpu.dma_semaphore, #tpu.memory_space<semaphore_mem>>)
          %dma_wait3A_323 = tpu.memref_slice %arg6[%min3A_313] : memref<32768xi32, #tpu.memory_space<hbm>> -> memref<48xi32, #tpu.memory_space<hbm>>
          %dma_wait3A_324 = tpu.memref_slice %arg6[%min3A_313] : memref<32768xi32, #tpu.memory_space<hbm>> -> memref<48xi32, #tpu.memory_space<hbm>>
          tpu.wait_dma2 semaphore(%run_scoped3A : memref<!tpu.dma_semaphore, #tpu.memory_space<semaphore_mem>>) src(%dma_wait3A_324 : memref<48xi32, #tpu.memory_space<hbm>>) dst(%arg13 : memref<48xi32, #tpu.memory_space<vmem>>)
          tpu.yield
        }) : () -> ()
        "tpu.region"() ({
          %run_scoped3A = tpu.sem_alloc : memref<!tpu.dma_semaphore, #tpu.memory_space<semaphore_mem>>
          %dma_start3A_321 = tpu.memref_slice %arg7[%min3A_313] : memref<32768xi32, #tpu.memory_space<hbm>> -> memref<48xi32, #tpu.memory_space<hbm>>
          %dma_start3A_322 = tpu.memref_slice %arg7[%min3A_313] : memref<32768xi32, #tpu.memory_space<hbm>> -> memref<48xi32, #tpu.memory_space<hbm>>
          tpu.enqueue_dma source(%dma_start3A_322 : memref<48xi32, #tpu.memory_space<hbm>>) target(%arg14 : memref<48xi32, #tpu.memory_space<vmem>>) target_semaphore(%run_scoped3A : memref<!tpu.dma_semaphore, #tpu.memory_space<semaphore_mem>>)
          %dma_wait3A_323 = tpu.memref_slice %arg7[%min3A_313] : memref<32768xi32, #tpu.memory_space<hbm>> -> memref<48xi32, #tpu.memory_space<hbm>>
          %dma_wait3A_324 = tpu.memref_slice %arg7[%min3A_313] : memref<32768xi32, #tpu.memory_space<hbm>> -> memref<48xi32, #tpu.memory_space<hbm>>
          tpu.wait_dma2 semaphore(%run_scoped3A : memref<!tpu.dma_semaphore, #tpu.memory_space<semaphore_mem>>) src(%dma_wait3A_324 : memref<48xi32, #tpu.memory_space<hbm>>) dst(%arg14 : memref<48xi32, #tpu.memory_space<vmem>>)
          tpu.yield
        }) : () -> ()
        %dma_start3A = arith.constant 0 : i32
        %dma_start3A_314 = arith.constant 0 : i32
        %dma_start3A_315 = tpu.memref_slice %arg3[%dma_start3A, %dma_start3A_314] : memref<8192x1024xf32, #tpu.memory_space<hbm>> -> memref<8192x1024xf32, #tpu.memory_space<hbm>>
        tpu.enqueue_indirect_dma source(%dma_start3A_315 : memref<8192x1024xf32, #tpu.memory_space<hbm>>) target(%arg16 : memref<48x1024xf32, #tpu.memory_space<vmem>>) offsets(%arg13 : memref<48xi32, #tpu.memory_space<vmem>>) semaphore(%arg20 : memref<!tpu.dma_semaphore, #tpu.memory_space<semaphore_mem>>)
        %dma_wait3A = arith.constant 0 : i32
        %dma_wait3A_316 = arith.constant 0 : i32
        %dma_wait3A_317 = tpu.memref_slice %arg3[%dma_wait3A, %dma_wait3A_316] : memref<8192x1024xf32, #tpu.memory_space<hbm>> -> memref<8192x1024xf32, #tpu.memory_space<hbm>>
        tpu.wait_indirect_dma semaphore(%arg20 : memref<!tpu.dma_semaphore, #tpu.memory_space<semaphore_mem>>) src(%dma_wait3A_317 : memref<8192x1024xf32, #tpu.memory_space<hbm>>) dst(%arg16 : memref<48x1024xf32, #tpu.memory_space<vmem>>)
        %dma_start3A_318 = arith.constant 0 : i32
        %dma_start3A_319 = arith.constant 0 : i32
        %dma_start3A_320 = tpu.memref_slice %arg9[%dma_start3A_318, %dma_start3A_319] : memref<65536x1024xf32, #tpu.memory_space<hbm>> -> memref<65536x1024xf32, #tpu.memory_space<hbm>>
        tpu.enqueue_indirect_dma source(%arg16 : memref<48x1024xf32, #tpu.memory_space<vmem>>) target(%dma_start3A_320 : memref<65536x1024xf32, #tpu.memory_space<hbm>>) offsets(%arg14 : memref<48xi32, #tpu.memory_space<vmem>>) semaphore(%arg22 : memref<!tpu.dma_semaphore, #tpu.memory_space<semaphore_mem>>)
      } else {
      }
    }
    %while3A_279 = arith.constant 1 : i32
    scf.for %while3A_290 = %while3A_277 to %while3A_273 step %while3A_279  : i32 {
      %mul3A_291 = arith.constant 2 : i32
      %mul3A_292 = arith.muli %mul3A_291, %while3A_290 : i32
      %lt3A = arith.cmpi slt, %mul3A_292, %select_n3A_243 : i32
      %convert_element_type3A_293 = arith.extui %lt3A : i1 to i32
      %cond3A_294 = arith.constant 0 : i32
      %cond3A_295 = arith.cmpi ne, %convert_element_type3A_293, %cond3A_294 : i32
      scf.if %cond3A_295 {
        %ge3A_304 = arith.constant 2 : i32
        %ge3A_305 = arith.cmpi sge, %mul3A_292, %ge3A_304 : i32
        %convert_element_type3A_306 = arith.extui %ge3A_305 : i1 to i32
        %cond3A_307 = arith.constant 0 : i32
        %cond3A_308 = arith.cmpi ne, %convert_element_type3A_306, %cond3A_307 : i32
        scf.if %cond3A_308 {
          %dma_wait3A_321 = arith.constant 0 : i32
          %dma_wait3A_322 = tpu.memref_slice %arg9[%mul3A_2, %dma_wait3A_321] : memref<65536x1024xf32, #tpu.memory_space<hbm>> -> memref<48x1024xf32, #tpu.memory_space<hbm>>
          %dma_wait3A_323 = arith.constant 0 : i32
          %dma_wait3A_324 = tpu.memref_slice %arg9[%mul3A_2, %dma_wait3A_323] : memref<65536x1024xf32, #tpu.memory_space<hbm>> -> memref<48x1024xf32, #tpu.memory_space<hbm>>
          tpu.wait_dma2 semaphore(%arg21 : memref<!tpu.dma_semaphore, #tpu.memory_space<semaphore_mem>>) src(%dma_wait3A_324 : memref<48x1024xf32, #tpu.memory_space<hbm>>) dst(%arg15 : memref<48x1024xf32, #tpu.memory_space<vmem>>)
        } else {
        }
        %mul3A_309 = arith.constant 48 : i32
        %mul3A_310 = arith.muli %mul3A_292, %mul3A_309 : i32
        %add3A_311 = arith.addi %mul3A_214, %mul3A_310 : i32
        %min3A_312 = arith.constant 32720 : i32
        %min3A_313 = arith.minsi %add3A_311, %min3A_312 : i32
        "tpu.region"() ({
          %run_scoped3A = tpu.sem_alloc : memref<!tpu.dma_semaphore, #tpu.memory_space<semaphore_mem>>
          %dma_start3A_321 = tpu.memref_slice %arg6[%min3A_313] : memref<32768xi32, #tpu.memory_space<hbm>> -> memref<48xi32, #tpu.memory_space<hbm>>
          %dma_start3A_322 = tpu.memref_slice %arg6[%min3A_313] : memref<32768xi32, #tpu.memory_space<hbm>> -> memref<48xi32, #tpu.memory_space<hbm>>
          tpu.enqueue_dma source(%dma_start3A_322 : memref<48xi32, #tpu.memory_space<hbm>>) target(%arg11 : memref<48xi32, #tpu.memory_space<vmem>>) target_semaphore(%run_scoped3A : memref<!tpu.dma_semaphore, #tpu.memory_space<semaphore_mem>>)
          %dma_wait3A_323 = tpu.memref_slice %arg6[%min3A_313] : memref<32768xi32, #tpu.memory_space<hbm>> -> memref<48xi32, #tpu.memory_space<hbm>>
          %dma_wait3A_324 = tpu.memref_slice %arg6[%min3A_313] : memref<32768xi32, #tpu.memory_space<hbm>> -> memref<48xi32, #tpu.memory_space<hbm>>
          tpu.wait_dma2 semaphore(%run_scoped3A : memref<!tpu.dma_semaphore, #tpu.memory_space<semaphore_mem>>) src(%dma_wait3A_324 : memref<48xi32, #tpu.memory_space<hbm>>) dst(%arg11 : memref<48xi32, #tpu.memory_space<vmem>>)
          tpu.yield
        }) : () -> ()
        "tpu.region"() ({
          %run_scoped3A = tpu.sem_alloc : memref<!tpu.dma_semaphore, #tpu.memory_space<semaphore_mem>>
          %dma_start3A_321 = tpu.memref_slice %arg7[%min3A_313] : memref<32768xi32, #tpu.memory_space<hbm>> -> memref<48xi32, #tpu.memory_space<hbm>>
          %dma_start3A_322 = tpu.memref_slice %arg7[%min3A_313] : memref<32768xi32, #tpu.memory_space<hbm>> -> memref<48xi32, #tpu.memory_space<hbm>>
          tpu.enqueue_dma source(%dma_start3A_322 : memref<48xi32, #tpu.memory_space<hbm>>) target(%arg12 : memref<48xi32, #tpu.memory_space<vmem>>) target_semaphore(%run_scoped3A : memref<!tpu.dma_semaphore, #tpu.memory_space<semaphore_mem>>)
          %dma_wait3A_323 = tpu.memref_slice %arg7[%min3A_313] : memref<32768xi32, #tpu.memory_space<hbm>> -> memref<48xi32, #tpu.memory_space<hbm>>
          %dma_wait3A_324 = tpu.memref_slice %arg7[%min3A_313] : memref<32768xi32, #tpu.memory_space<hbm>> -> memref<48xi32, #tpu.memory_space<hbm>>
          tpu.wait_dma2 semaphore(%run_scoped3A : memref<!tpu.dma_semaphore, #tpu.memory_space<semaphore_mem>>) src(%dma_wait3A_324 : memref<48xi32, #tpu.memory_space<hbm>>) dst(%arg12 : memref<48xi32, #tpu.memory_space<vmem>>)
          tpu.yield
        }) : () -> ()
        %dma_start3A = arith.constant 0 : i32
        %dma_start3A_314 = arith.constant 0 : i32
        %dma_start3A_315 = tpu.memref_slice %arg3[%dma_start3A, %dma_start3A_314] : memref<8192x1024xf32, #tpu.memory_space<hbm>> -> memref<8192x1024xf32, #tpu.memory_space<hbm>>
        tpu.enqueue_indirect_dma source(%dma_start3A_315 : memref<8192x1024xf32, #tpu.memory_space<hbm>>) target(%arg15 : memref<48x1024xf32, #tpu.memory_space<vmem>>) offsets(%arg11 : memref<48xi32, #tpu.memory_space<vmem>>) semaphore(%arg19 : memref<!tpu.dma_semaphore, #tpu.memory_space<semaphore_mem>>)
        %dma_wait3A = arith.constant 0 : i32
        %dma_wait3A_316 = arith.constant 0 : i32
        %dma_wait3A_317 = tpu.memref_slice %arg3[%dma_wait3A, %dma_wait3A_316] : memref<8192x1024xf32, #tpu.memory_space<hbm>> -> memref<8192x1024xf32, #tpu.memory_space<hbm>>
        tpu.wait_indirect_dma semaphore(%arg19 : memref<!tpu.dma_semaphore, #tpu.memory_space<semaphore_mem>>) src(%dma_wait3A_317 : memref<8192x1024xf32, #tpu.memory_space<hbm>>) dst(%arg15 : memref<48x1024xf32, #tpu.memory_space<vmem>>)
        %dma_start3A_318 = arith.constant 0 : i32
        %dma_start3A_319 = arith.constant 0 : i32
        %dma_start3A_320 = tpu.memref_slice %arg9[%dma_start3A_318, %dma_start3A_319] : memref<65536x1024xf32, #tpu.memory_space<hbm>> -> memref<65536x1024xf32, #tpu.memory_space<hbm>>
        tpu.enqueue_indirect_dma source(%arg15 : memref<48x1024xf32, #tpu.memory_space<vmem>>) target(%dma_start3A_320 : memref<65536x1024xf32, #tpu.memory_space<hbm>>) offsets(%arg12 : memref<48xi32, #tpu.memory_space<vmem>>) semaphore(%arg21 : memref<!tpu.dma_semaphore, #tpu.memory_space<semaphore_mem>>)
      } else {
      }
      %mul3A_296 = arith.constant 2 : i32
      %mul3A_297 = arith.muli %mul3A_296, %while3A_290 : i32
      %add3A_298 = arith.constant 1 : i32
      %add3A_299 = arith.addi %mul3A_297, %add3A_298 : i32
      %lt3A_300 = arith.cmpi slt, %add3A_299, %select_n3A_243 : i32
      %convert_element_type3A_301 = arith.extui %lt3A_300 : i1 to i32
      %cond3A_302 = arith.constant 0 : i32
      %cond3A_303 = arith.cmpi ne, %convert_element_type3A_301, %cond3A_302 : i32
      scf.if %cond3A_303 {
        %ge3A_304 = arith.constant 2 : i32
        %ge3A_305 = arith.cmpi sge, %add3A_299, %ge3A_304 : i32
        %convert_element_type3A_306 = arith.extui %ge3A_305 : i1 to i32
        %cond3A_307 = arith.constant 0 : i32
        %cond3A_308 = arith.cmpi ne, %convert_element_type3A_306, %cond3A_307 : i32
        scf.if %cond3A_308 {
          %dma_wait3A_321 = arith.constant 0 : i32
          %dma_wait3A_322 = tpu.memref_slice %arg9[%mul3A_2, %dma_wait3A_321] : memref<65536x1024xf32, #tpu.memory_space<hbm>> -> memref<48x1024xf32, #tpu.memory_space<hbm>>
          %dma_wait3A_323 = arith.constant 0 : i32
          %dma_wait3A_324 = tpu.memref_slice %arg9[%mul3A_2, %dma_wait3A_323] : memref<65536x1024xf32, #tpu.memory_space<hbm>> -> memref<48x1024xf32, #tpu.memory_space<hbm>>
          tpu.wait_dma2 semaphore(%arg22 : memref<!tpu.dma_semaphore, #tpu.memory_space<semaphore_mem>>) src(%dma_wait3A_324 : memref<48x1024xf32, #tpu.memory_space<hbm>>) dst(%arg16 : memref<48x1024xf32, #tpu.memory_space<vmem>>)
        } else {
        }
        %mul3A_309 = arith.constant 48 : i32
        %mul3A_310 = arith.muli %add3A_299, %mul3A_309 : i32
        %add3A_311 = arith.addi %mul3A_214, %mul3A_310 : i32
        %min3A_312 = arith.constant 32720 : i32
        %min3A_313 = arith.minsi %add3A_311, %min3A_312 : i32
        "tpu.region"() ({
          %run_scoped3A = tpu.sem_alloc : memref<!tpu.dma_semaphore, #tpu.memory_space<semaphore_mem>>
          %dma_start3A_321 = tpu.memref_slice %arg6[%min3A_313] : memref<32768xi32, #tpu.memory_space<hbm>> -> memref<48xi32, #tpu.memory_space<hbm>>
          %dma_start3A_322 = tpu.memref_slice %arg6[%min3A_313] : memref<32768xi32, #tpu.memory_space<hbm>> -> memref<48xi32, #tpu.memory_space<hbm>>
          tpu.enqueue_dma source(%dma_start3A_322 : memref<48xi32, #tpu.memory_space<hbm>>) target(%arg13 : memref<48xi32, #tpu.memory_space<vmem>>) target_semaphore(%run_scoped3A : memref<!tpu.dma_semaphore, #tpu.memory_space<semaphore_mem>>)
          %dma_wait3A_323 = tpu.memref_slice %arg6[%min3A_313] : memref<32768xi32, #tpu.memory_space<hbm>> -> memref<48xi32, #tpu.memory_space<hbm>>
          %dma_wait3A_324 = tpu.memref_slice %arg6[%min3A_313] : memref<32768xi32, #tpu.memory_space<hbm>> -> memref<48xi32, #tpu.memory_space<hbm>>
          tpu.wait_dma2 semaphore(%run_scoped3A : memref<!tpu.dma_semaphore, #tpu.memory_space<semaphore_mem>>) src(%dma_wait3A_324 : memref<48xi32, #tpu.memory_space<hbm>>) dst(%arg13 : memref<48xi32, #tpu.memory_space<vmem>>)
          tpu.yield
        }) : () -> ()
        "tpu.region"() ({
          %run_scoped3A = tpu.sem_alloc : memref<!tpu.dma_semaphore, #tpu.memory_space<semaphore_mem>>
          %dma_start3A_321 = tpu.memref_slice %arg7[%min3A_313] : memref<32768xi32, #tpu.memory_space<hbm>> -> memref<48xi32, #tpu.memory_space<hbm>>
          %dma_start3A_322 = tpu.memref_slice %arg7[%min3A_313] : memref<32768xi32, #tpu.memory_space<hbm>> -> memref<48xi32, #tpu.memory_space<hbm>>
          tpu.enqueue_dma source(%dma_start3A_322 : memref<48xi32, #tpu.memory_space<hbm>>) target(%arg14 : memref<48xi32, #tpu.memory_space<vmem>>) target_semaphore(%run_scoped3A : memref<!tpu.dma_semaphore, #tpu.memory_space<semaphore_mem>>)
          %dma_wait3A_323 = tpu.memref_slice %arg7[%min3A_313] : memref<32768xi32, #tpu.memory_space<hbm>> -> memref<48xi32, #tpu.memory_space<hbm>>
          %dma_wait3A_324 = tpu.memref_slice %arg7[%min3A_313] : memref<32768xi32, #tpu.memory_space<hbm>> -> memref<48xi32, #tpu.memory_space<hbm>>
          tpu.wait_dma2 semaphore(%run_scoped3A : memref<!tpu.dma_semaphore, #tpu.memory_space<semaphore_mem>>) src(%dma_wait3A_324 : memref<48xi32, #tpu.memory_space<hbm>>) dst(%arg14 : memref<48xi32, #tpu.memory_space<vmem>>)
          tpu.yield
        }) : () -> ()
        %dma_start3A = arith.constant 0 : i32
        %dma_start3A_314 = arith.constant 0 : i32
        %dma_start3A_315 = tpu.memref_slice %arg3[%dma_start3A, %dma_start3A_314] : memref<8192x1024xf32, #tpu.memory_space<hbm>> -> memref<8192x1024xf32, #tpu.memory_space<hbm>>
        tpu.enqueue_indirect_dma source(%dma_start3A_315 : memref<8192x1024xf32, #tpu.memory_space<hbm>>) target(%arg16 : memref<48x1024xf32, #tpu.memory_space<vmem>>) offsets(%arg13 : memref<48xi32, #tpu.memory_space<vmem>>) semaphore(%arg20 : memref<!tpu.dma_semaphore, #tpu.memory_space<semaphore_mem>>)
        %dma_wait3A = arith.constant 0 : i32
        %dma_wait3A_316 = arith.constant 0 : i32
        %dma_wait3A_317 = tpu.memref_slice %arg3[%dma_wait3A, %dma_wait3A_316] : memref<8192x1024xf32, #tpu.memory_space<hbm>> -> memref<8192x1024xf32, #tpu.memory_space<hbm>>
        tpu.wait_indirect_dma semaphore(%arg20 : memref<!tpu.dma_semaphore, #tpu.memory_space<semaphore_mem>>) src(%dma_wait3A_317 : memref<8192x1024xf32, #tpu.memory_space<hbm>>) dst(%arg16 : memref<48x1024xf32, #tpu.memory_space<vmem>>)
        %dma_start3A_318 = arith.constant 0 : i32
        %dma_start3A_319 = arith.constant 0 : i32
        %dma_start3A_320 = tpu.memref_slice %arg9[%dma_start3A_318, %dma_start3A_319] : memref<65536x1024xf32, #tpu.memory_space<hbm>> -> memref<65536x1024xf32, #tpu.memory_space<hbm>>
        tpu.enqueue_indirect_dma source(%arg16 : memref<48x1024xf32, #tpu.memory_space<vmem>>) target(%dma_start3A_320 : memref<65536x1024xf32, #tpu.memory_space<hbm>>) offsets(%arg14 : memref<48xi32, #tpu.memory_space<vmem>>) semaphore(%arg22 : memref<!tpu.dma_semaphore, #tpu.memory_space<semaphore_mem>>)
      } else {
      }
    }
    %ge3A_280 = arith.constant 1 : i32
    %ge3A_281 = arith.cmpi sge, %select_n3A_243, %ge3A_280 : i32
    %convert_element_type3A_282 = arith.extui %ge3A_281 : i1 to i32
    %cond3A_283 = arith.constant 0 : i32
    %cond3A_284 = arith.cmpi ne, %convert_element_type3A_282, %cond3A_283 : i32
    scf.if %cond3A_284 {
      %dma_wait3A = arith.constant 0 : i32
      %dma_wait3A_290 = tpu.memref_slice %arg9[%mul3A_2, %dma_wait3A] : memref<65536x1024xf32, #tpu.memory_space<hbm>> -> memref<48x1024xf32, #tpu.memory_space<hbm>>
      %dma_wait3A_291 = arith.constant 0 : i32
      %dma_wait3A_292 = tpu.memref_slice %arg9[%mul3A_2, %dma_wait3A_291] : memref<65536x1024xf32, #tpu.memory_space<hbm>> -> memref<48x1024xf32, #tpu.memory_space<hbm>>
      tpu.wait_dma2 semaphore(%arg21 : memref<!tpu.dma_semaphore, #tpu.memory_space<semaphore_mem>>) src(%dma_wait3A_292 : memref<48x1024xf32, #tpu.memory_space<hbm>>) dst(%arg15 : memref<48x1024xf32, #tpu.memory_space<vmem>>)
    } else {
    }
    %ge3A_285 = arith.constant 2 : i32
    %ge3A_286 = arith.cmpi sge, %select_n3A_243, %ge3A_285 : i32
    %convert_element_type3A_287 = arith.extui %ge3A_286 : i1 to i32
    %cond3A_288 = arith.constant 0 : i32
    %cond3A_289 = arith.cmpi ne, %convert_element_type3A_287, %cond3A_288 : i32
    scf.if %cond3A_289 {
      %dma_wait3A = arith.constant 0 : i32
      %dma_wait3A_290 = tpu.memref_slice %arg9[%mul3A_2, %dma_wait3A] : memref<65536x1024xf32, #tpu.memory_space<hbm>> -> memref<48x1024xf32, #tpu.memory_space<hbm>>
      %dma_wait3A_291 = arith.constant 0 : i32
      %dma_wait3A_292 = tpu.memref_slice %arg9[%mul3A_2, %dma_wait3A_291] : memref<65536x1024xf32, #tpu.memory_space<hbm>> -> memref<48x1024xf32, #tpu.memory_space<hbm>>
      tpu.wait_dma2 semaphore(%arg22 : memref<!tpu.dma_semaphore, #tpu.memory_space<semaphore_mem>>) src(%dma_wait3A_292 : memref<48x1024xf32, #tpu.memory_space<hbm>>) dst(%arg16 : memref<48x1024xf32, #tpu.memory_space<vmem>>)
    } else {
    }
    return
  }
}

</mosaic_0001>

<sc_bundles>
// kernel: kernel.3.cloned.1.call-start
scs
__scs_entry_jumppad:
0x0: {  	(pc) =	sbr.rel $0x88, $3  }
0x1: {  	(tag) =	ssettag $0x0;
	lr =	simm.s32 $0x1  }
0x2: {  	[smem:$0x3F9C] =	sst lr;
	_ =	strace $0xD0000000  }
0x3: {  	_ = 	snop  }
0x4: {  	_ = 	snop  }
0x5: {  	_ = 	snop  }
0x6: {  	_ = 	snop  }
0x7: {  	_ = 	snop  }
__scs_overlays_trampoline_lowered:
0x8: {  	[smem:$0x3FAB] =	sst s0  }
0x9: {  	[smem:$0x3FAC] =	sst s1  }
0xa: {  	[smem:$0x3FAD] =	sst s2  }
0xb: {  	[smem:$0x3FAE] =	sst s3  }
0xc: {  	[smem:$0x3FAF] =	sst s4  }
0xd: {  	[smem:$0x3FB0] =	sst s5  }
0xe: {  	[smem:$0x3FB1] =	sst s6  }
0xf: {  	[smem:$0x3FB2] =	sst s7  }
0x10: {  	[smem:$0x3FB3] =	sst s8  }
0x11: {  	[smem:$0x3FB4] =	sst s9;
	s0 =	simm.s32 @!p0 $0x0  }
0x12: {  	s1 =	sld [smem:$0x3F9A];
	s0 =	simm.s32 @p0 $0x1  }
0x13: {  	[smem:$0x3FB5] =	sst s0;
	s0 =	simm.s32 @!p1 $0x0  }
0x14: {  	s2 =	sld [smem:$0x3F99];
	s0 =	simm.s32 @p1 $0x1  }
0x15: {  	[smem:$0x3FB6] =	sst s0;
	s0 =	simm.s32 @!p2 $0x0  }
0x16: {  	s3 =	sld [smem:$0x3FDB];
	s0 =	simm.s32 @p2 $0x1  }
0x17: {  	s4 =	simm.s32 $0x1BF5;
	[smem:$0x3FB8] =	sst s0  }
0x18: {  	s0 =	sld [smem:$0x3F9B];
	_ =	swait.ge [sflag:s4], $0x0  }
0x19: {  	s7 =	sld [smem:$0x3F9C]  }
0x1a: {  	s8 =	sadd.s32 $0xFFFFE003, lr  }
0x1b: {  	s9 =	sadd.s32 $0xFFFFFEF7, lr;
	s5 =	simm.s32 $0xFFFFFFFF;
	p2 =	slt.u32 s8, $0xFFFFF086  }
0x1c: {  	p1 =	slt.u32 s9, $0xF7A;
	s5 =	simm.s32 @!p2 $0x0  }
0x1d: {  	s5 =	simm.s32 @p1 $0x1;
	p0 =	seq.s32 s7, s2  }
0x1e: {  	s7 =	smul.u32 @!p0 $0xF7A, s2;
	p2 =	seq.s32 @!p0 s5, $0x0  }
0x1f: {  	s9 =	smul.u32 $0xF7A, s1;
	s8 =	simm.s32 @!p0 $0x1BF5;
	p2 =	por !p2, p0  }
0x20: {  	[sflag:s8] =	ssyncset.s32 @!p0 $0xFFFFF086;
	s6 =	sadd.s32 @!p0 s3, s7;
	s7 =	simm.s32 @!p0 $0x108  }
0x21: {  	s3 =	sadd.s32 s3, s9;
	s6 =	sadd.s32 @!p0 $0x88, s6;
	s7 =	simm.s32 @p2 $0x1082  }
0x22: {  	[simem:s7], [sflag:s8] =	dma.local @!p0 [hbm:s6], $0xF7A  }
0x23: {  	s9 =	sor.u32 $0xD0000000, s2;
	s6 =	simm.s32 $0x108;
	_ =	swait.ge @!p0 [sflag:s8], $0x0  }
0x24: {  	s3 =	sadd.s32 $0x88, s3;
	s6 =	simm.s32 @!p1 $0x1082;
	[sflag:s4] =	ssyncset.s32 $0xFFFFF086  }
0x25: {  	[simem:s6], [sflag:s4] =	dma.local [hbm:s3], $0xF7A  }
0x26: {  	[smem:$0x3F9C] =	sst s1;
	(tag) =	ssettag s2;
	_ =	strace s9  }
0x27: {  	s1 =	sld [smem:$0x3FAC]  }
0x28: {  	s2 =	sld [smem:$0x3FAD]  }
0x29: {  	s4 =	sld [smem:$0x3FAF]  }
0x2a: {  	p0 =	seq.s32 s5, $0x0;
	s5 =	sld [smem:$0x3FB0]  }
0x2b: {  	s6 =	sld [smem:$0x3FB1]  }
0x2c: {  	s7 =	sld [smem:$0x3FB2]  }
0x2d: {  	s3 =	simm.s32 $0x108;
	s8 =	sld [smem:$0x3FB3]  }
0x2e: {  	s3 =	simm.s32 @!p0 $0x1082;
	s9 =	sld [smem:$0x3FB4]  }
0x2f: {  	lr =	sadd.s32 s0, s3;
	s0 =	sld [smem:$0x3FAB]  }
0x30: {  	s3 =	sld [smem:$0x3FAE]  }
0x31: {  	[smem:$0x3FB7] =	sst s10  }
0x32: {  	s10 =	sld [smem:$0x3FB5];
	_ =	sdelay $0x3  }
0x33: {  	p0 =	seq.s32 s10, $0x1;
	s10 =	sld [smem:$0x3FB7];
	_ =	sdelay $0x3  }
0x34: {  	[smem:$0x3FB7] =	sst s10  }
0x35: {  	s10 =	sld [smem:$0x3FB6];
	_ =	sdelay $0x3  }
0x36: {  	p1 =	seq.s32 s10, $0x1;
	s10 =	sld [smem:$0x3FB7];
	_ =	sdelay $0x3  }
0x37: {  	[smem:$0x3FB7] =	sst s10  }
0x38: {  	s10 =	sld [smem:$0x3FB8]  }
0x39: {  	_ = 	snop;
	(pc) =	sbr.ind lr, $3  }
0x3a: {  	_ = 	snop  }
0x3b: {  	_ = 	snop  }
0x3c: {  	p2 =	seq.s32 s10, $0x1;
	s10 =	sld [smem:$0x3FB7]  }
0x3d: {  	_ =	shalt  }
0x3e: {  	_ =	shalt  }
0x3f: {  	_ =	shalt  }
0x40: {  	_ =	shalt  }
0x41: {  	_ =	shalt  }
0x42: {  	_ =	shalt  }
0x43: {  	_ =	shalt  }
0x44: {  	_ =	shalt  }
0x45: {  	_ =	shalt  }
0x46: {  	_ =	shalt  }
0x47: {  	_ =	shalt  }
0x48: {  	_ =	shalt  }
0x49: {  	_ =	shalt  }
0x4a: {  	_ =	shalt  }
0x4b: {  	_ =	shalt  }
0x4c: {  	_ =	shalt  }
0x4d: {  	_ =	shalt  }
0x4e: {  	_ =	shalt  }
0x4f: {  	_ =	shalt  }
0x50: {  	_ =	shalt  }
0x51: {  	_ =	shalt  }
0x52: {  	_ =	shalt  }
0x53: {  	_ =	shalt  }
0x54: {  	_ =	shalt  }
0x55: {  	_ =	shalt  }
0x56: {  	_ =	shalt  }
0x57: {  	_ =	shalt  }
0x58: {  	_ =	shalt  }
0x59: {  	_ =	shalt  }
0x5a: {  	_ =	shalt  }
0x5b: {  	_ =	shalt  }
0x5c: {  	_ =	shalt  }
0x5d: {  	_ =	shalt  }
0x5e: {  	_ =	shalt  }
0x5f: {  	_ =	shalt  }
0x60: {  	_ =	shalt  }
0x61: {  	_ =	shalt  }
0x62: {  	_ =	shalt  }
0x63: {  	_ =	shalt  }
0x64: {  	_ =	shalt  }
0x65: {  	_ =	shalt  }
0x66: {  	_ =	shalt  }
0x67: {  	_ =	shalt  }
0x68: {  	_ =	shalt  }
0x69: {  	_ =	shalt  }
0x6a: {  	_ =	shalt  }
0x6b: {  	_ =	shalt  }
0x6c: {  	_ =	shalt  }
0x6d: {  	_ =	shalt  }
0x6e: {  	_ =	shalt  }
0x6f: {  	_ =	shalt  }
0x70: {  	_ =	shalt  }
0x71: {  	_ =	shalt  }
0x72: {  	_ =	shalt  }
0x73: {  	_ =	shalt  }
0x74: {  	_ =	shalt  }
0x75: {  	_ =	shalt  }
0x76: {  	_ =	shalt  }
0x77: {  	_ =	shalt  }
0x78: {  	_ =	shalt  }
0x79: {  	_ =	shalt  }
0x7a: {  	_ =	shalt  }
0x7b: {  	_ =	shalt  }
0x7c: {  	_ =	shalt  }
0x7d: {  	_ =	shalt  }
0x7e: {  	_ =	shalt  }
0x7f: {  	_ =	shalt  }
0x80: {  	_ =	shalt  }
0x81: {  	_ =	shalt  }
0x82: {  	_ =	shalt  }
0x83: {  	_ =	shalt  }
0x84: {  	_ =	shalt  }
0x85: {  	_ =	shalt  }
0x86: {  	_ =	shalt  }
0x87: {  	_ =	shalt  }
.Lfunc_end0:
.L_simem_size_0:
called_computation_lowered:
.L_overlay_start_0:
0x88: {  	s2 =	sld [smem:$0x3FD9]  }
0x89: {  	s3 =	sld [smem:$0x3FFE];
	_ =	sdelay $0x1  }
0x8a: {  	s1 =	srdreg.scid  }
0x8b: {  	s0 =	sand.u32 $0x1, s1  }
0x8c: {  	s14 =	sshll.u32 s0, $0xA;
	s2 =	sadd.s32 s3, s2  }
0x8d: {  	s2 =	sadd.s32 s2, s14  }
0x8e: {  	[smem:$0x3FC3] =	sst s2  }
0x8f: {  	_ = 	snop  }
0x90: {  	s2 =	sld [smem:$0x3FD0];
	_ =	sdelay $0x1  }
0x91: {  	s15 =	sld [smem:$0x3FC6]  }
0x92: {  	s5 =	simm.s32 $0xA;
	s6 =	simm.s32 $0x10;
	s4 =	sld [smem:$0x3FC5]  }
0x93: {  	[smem:s6], [sflag:s5] =	dma.local [hbm:s2], $0x1  }
0x94: {  	_ =	swait.eq [sflag:s5], $0x1  }
0x95: {  	[sflag:s5] =	ssyncset.done $0x0  }
0x96: {  	[sflag:s5] =	ssyncadd.s32 $0xFFFFFFFF  }
0x97: {  	s16 =	sld [smem:$0x10];
	(tm) =	ssettm $0x1  }
0x98: {  	s17 =	sld [smem:$0x3FFB];
	_ =	sdelay $0x3  }
0x99: {  	_ =	strace s17  }
0x9a: {  	s5 =	sld [smem:$0x3FFC];
	_ =	sdelay $0x3  }
0x9b: {  	_ =	strace s5  }
0x9c: {  	s5 =	sld [smem:$0x3FFD];
	_ =	sdelay $0x3  }
0x9d: {  	_ =	strace s5  }
0x9e: {  	_ =	strace $0x8FFFFFFF  }
0x9f: {  	s18 =	sld [smem:$0x3FDB];
	_ =	sdelay $0x1  }
0xa0: {  	s19 =	simm.s32 $_scs_section_size  }
0xa1: {  	s7 =	simm.s32 $_size__tile_overlayer_lowered;
	s8 =	simm.s32 $_tile_overlayer_lowered  }
0xa2: {  	s22 =	simm.s32 $0x1BFF;
	s21 =	sshll.u32 s8, $0x1;
	s5 =	sadd.s32 s19, s18  }
0xa3: {  	s9 =	simm.s32 $0x0;
	s20 =	sshll.u32 s7, $0x1;
	s7 =	sadd.s32 s21, s5  }
0xa4: {  	[timem:s9], [sflag:s22] =	dma.local [hbm:s7], s20  }
0xa5: {  	_ =	swait.ge [sflag:s22], s20  }
0xa6: {  	s6 =	ssub.s32 $0x0, s20;
	[sflag:s22] =	ssyncset.done $0x0  }
0xa7: {  	[sflag:s22] =	ssyncadd.s32 s6;
	_ =	sdelay $0x1  }
0xa8: {  	s23 =	simm.s32 $0x1B8B  }
0xa9: {  	_ =	swait.ge [sflag:s23], $0x1  }
0xaa: {  	[sflag:s23] =	ssyncset.done $0x0  }
0xab: {  	s25 =	simm.s32 $0x1B8E;
	s24 =	sld [smem:$0x3FFE];
	[sflag:s23] =	ssyncadd.s32 $0xFFFFFFFF  }
0xac: {  	s26 =	simm.s32 $execute0_lowered;
	[smem:$0x3FD2] =	sst s25  }
0xad: {  	s7 =	sshll.u32 s26, $0x1;
	_ =	strace $0x80000046;
	[dreg:$0x1] =	wrdreg $0xFFFFFFFF  }
0xae: {  	s28 =	simm.s32 $_size_execute0_lowered;
	s5 =	sadd.s32 s5, s7;
	[dreg:$0x0] =	wrdreg $0x0  }
0xaf: {  	s7 =	sshll.u32 s28, $0x1;
	[dreg:$0x2] =	wrdreg s5  }
0xb0: {  	[dreg:$0x3] =	wrdreg s7  }
0xb1: {  	[dreg:$0x4] =	wrdreg $0xC0  }
0xb2: {  	_ =	task [dreg:s9], $0x5FFFF  }
0xb3: {  	[dreg:$0x1] =	wrdreg $0xFFFFFFFF  }
0xb4: {  	[dreg:$0x0] =	wrdreg $0x60  }
0xb5: {  	[dreg:$0x2] =	wrdreg s4  }
0xb6: {  	[dreg:$0x3] =	wrdreg s15  }
0xb7: {  	[dreg:$0x4] =	wrdreg s24  }
0xb8: {  	[dreg:$0x5] =	wrdreg s16  }
0xb9: {  	[dreg:$0x6] =	wrdreg $0x9  }
0xba: {  	_ =	task.clear_ibuf [dreg:s9], $0x7FFFF;
	_ =	strace $0x90000046  }
0xbb: {  	s29 =	simm.s32 $0x9;
	_ =	strace $0x80000048  }
0xbc: {  	_ =	swait.ge [sflag:s29], $0x1  }
0xbd: {  	[sflag:s29] =	ssyncadd.s32 $0xFFFFFFFF  }
0xbe: {  	_ =	strace $0x90000048  }
0xbf: {  	_ =	sfence  }
0xc0: {  	s30 =	sld [smem:$0x0];
	_ =	sdelay $0x2  }
0xc1: {  	s31 =	sshll.u32 s1, $0xD;
	s1 =	sshrl.u32 s1, $0x2  }
0xc2: {  	s3 =	sand.u32 $0x4000, s31;
	s1 =	sadd.s32 s1, s30  }
0xc3: {  	s0 =	sor.u32 s3, s0;
	s1 =	sshll.u32 s1, $0x11  }
0xc4: {  	s0 =	sor.u32 s1, s0  }
0xc5: {  	s0 =	sadd.s32 $0x8F2B, s0  }
0xc6: {  	[sflag:s0] =	ssyncadd.remote.s32 $0x1  }
0xc7: {  	_ =	sfence.sel $0xFFFF  }
0xc8: {  	[dreg:$0x0] =	wrdreg $0xFFFFFFFF;
	(pc) =	sbr.abs _section_cstart, $3  }
0xc9: {  	[dreg:$0x1] =	wrdreg $0xFFFFFFFF  }
0xca: {  	_ =	task.clear_ibuf [dreg:s9], $0x2FFFF;
	_ =	strace $0x9FFFFFFF  }
0xcb: {  	(tm) =	ssettm $0x7FFFFFFF  }
tec
execute0_lowered:
.L_overlay_start_1:
0x0: {  	(tag) =	ssettag $0x1  }
0x1: {  	s1 =	rddreg [dreg:$0x0]  }
0x2: {  	s2 =	rddreg [dreg:$0x1]  }
0x3: {  	s7 =	rddreg [dreg:$0x2]  }
0x4: {  	s4 =	rddreg [dreg:$0x3];
	s5 =	simm.s32 $0x0  }
0x5: {  	[smem:$0x7FF] =	sst s5;
	s0 =	sadd.s32 $0x3400, s7  }
0x6: {  	s3 =	sadd.s32 $0x1400, s7;
	_ =	strace $0x80000047;
	[dreg:$0x5] =	wrdreg s0  }
0x7: {  	s9 =	sadd.s32 $0x4400, s7;
	s7 =	sadd.s32 $0x2400, s7;
	[dreg:$0x7] =	wrdreg s3  }
0x8: {  	s19 =	sadd.s32 $0x100, s1;
	[dreg:$0x8] =	wrdreg s7  }
0x9: {  	s20 =	sadd.s32 $0x200, s1;
	[dreg:$0x11] =	wrdreg s19  }
0xa: {  	s1 =	sadd.s32 $0x300, s1;
	[dreg:$0x12] =	wrdreg s20  }
0xb: {  	s15 =	srdreg.scid;
	s21 =	sadd.s32 $0x100, s2;
	[dreg:$0x13] =	wrdreg s1  }
0xc: {  	s8 =	stileid.u32;
	s22 =	sadd.s32 $0x200, s2;
	[dreg:$0x15] =	wrdreg s21  }
0xd: {  	s6 =	sshll.u32 s8, $0x1;
	s23 =	sadd.s32 $0x300, s2;
	[dreg:$0x14] =	wrdreg s22  }
0xe: {  	s24 =	sshll.u32 s8, $0x16;
	s0 =	sand.u32 $0x1, s15;
	[dreg:$0x16] =	wrdreg s23  }
0xf: {  	s16 =	ssub.s32 $0x2, s0;
	s6 =	sor.u32 s0, s6;
	s0 =	sshll.u32 s0, $0x15  }
0x10: {  	[dreg:$0x6] =	wrdreg s9;
	s0 =	sor.u32 s0, s24  }
0x11: {  	s17 =	sshrl.u32 s16, $0x1;
	s18 =	sshll.u32 s6, $0x6;
	s0 =	sor.u32 $0x1EC000, s0  }
0x12: {  	s6 =	sshll.u32 s6, $0x12;
	s28 =	sshrl.u32 s18, $0x2;
	[dreg:$0xd] =	wrdreg s0  }
0x13: {  	s3 =	ssub.s32 s16, s17;
	s11 =	sadd.s32 s4, s6;
	[dreg:$0xe] =	wrdreg s28  }
0x14: {  	s30 =	simm.s32 $0x1;
	s3 =	smax.u32 s3, $0x1;
	[dreg:$0x9] =	wrdreg s11  }
.Ltmp0:
0x15: {  	s25 =	sadd.s32 $0x3F800, s11;
	[dreg:$0xa] =	wrdreg s3;
	(pc) =	sbr.rel .LBB2_1-.Ltmp0, $4  }
0x16: {  	s15 =	sadd.s32 $0x100, s4;
	s26 =	sadd.s32 $0x3F000, s11;
	[dreg:$0xb] =	wrdreg s25  }
0x17: {  	v3 =	vlaneseq.u32;
	s19 =	simm.s32 $0x6;
	s29 =	sadd.s32 $0x3E800, s11;
	[dreg:$0xc] =	wrdreg s26  }
0x18: {  	v0 =	vimm.f32 $0.0e+00;
	vm0 =	vmmov $0xffff;
	v2 =	vshrl.u32 v3, $0x3;
	s16 =	sadd.s32 $0x200, s4;
	s31 =	sadd.s32 $0x3E000, s11;
	[dreg:$0xf] =	wrdreg s29  }
0x19: {  	v1 =	vand.u32 $0x7, v3;
	v3 =	vor.u32 $0x8, v3;
	v2 =	vmul.u32 $0x8, v2;
	s17 =	sadd.s32 $0x300, s4;
	s0 =	simm.s32 $0x0;
	[dreg:$0x10] =	wrdreg s31  }
.LBB2_23:
0x1a: {  	p0 =	slt.s32 s0, $0x1  }
0x1b: {  	s6 =	simm.s32 @!p0 $0x4  }
0x1c: {  	p1 =	seq.s32 @!p0 s0, $0x1;
	_ =	swait.ge @!p0 [sflag:s6], $0xC000  }
0x1d: {  	p1 =	por p1, p0;
	[sflag:s6] =	ssyncset.done @!p0 $0x0  }
0x1e: {  	[sflag:s6] =	ssyncadd.s32 @!p0 $0xFFFF4000;
	s6 =	simm.s32 @!p1 $0x5  }
0x1f: {  	_ =	swait.ge @!p1 [sflag:s6], $0xC000  }
0x20: {  	s31 =	rddreg [dreg:$0x17]  }
0x21: {  	s7 =	rddreg [dreg:$0xa];
	s0 =	sadd.s32 $0x1, s31  }
0x22: {  	p0 =	sne.s32 s0, s7  }
.Ltmp1:
0x23: {  	_ = 	snop;
	(pc) =	sbr.rel @!p0 .LBB2_24-.Ltmp1, $3  }
0x24: {  	_ =	sdelay $0x1  }
0x25: {  	[sflag:s6] =	ssyncset.done @!p1 $0x0  }
0x26: {  	[sflag:s6] =	ssyncadd.s32 @!p1 $0xFFFF4000  }
.LBB2_1:
0x27: {  	[dreg:$0x17] =	wrdreg s0  }
0x28: {  	s6 =	rddreg [dreg:$0x2]  }
0x29: {  	s28 =	sand.u32 $0x7000, s5;
	s7 =	simm.s32 $0x0;
	s8 =	simm.s32 $0x0  }
0x2a: {  	[tilespmem:s5], [sflag:$0x6] =	stream.linear.gather [hbm4b:s6+s5], $0x200, $0x38;
	[tilespmem:$0x1C400] =	vst v63  }
0x2b: {  	s7 =	sand.u32 $0x2000, s7;
	s6 =	sshrl.u32 s28, $0x2;
	_ =	swait.ge [sflag:s19], $0x200  }
0x2c: {  	s8 =	sand.u32 $0x380, s8;
	s6 =	sor.u32 s6, s7;
	[sflag:s19] =	ssyncset.done $0x0  }
0x2d: {  	s29 =	rddreg [dreg:$0xe];
	s31 =	sor.u32 s8, s6;
	[sflag:s19] =	ssyncadd.s32 $0xFFFFFE00  }
0x2e: {  	s6 =	sadd.s32 $0x18400, s31;
	v4 =	vld [tilespmem:s29+$0x0];
	[tilespmem:s31+$0x18400] =	vst v0  }
0x2f: {  	[tilespmem:s6+$0x40] =	vst v0  }
0x30: {  	[tilespmem:s6+$0x10] =	vst v0  }
0x31: {  	s21 =	simm.s32 $0x10;
	s11 =	simm.s32 $0x1000;
	[tilespmem:s6+$0x20] =	vst v0  }
0x32: {  	s25 =	sand.u32 $0x7000, s11;
	s7 =	simm.s32 $0x2;
	s8 =	simm.s32 $0x80;
	[tilespmem:s6+$0x30] =	vst v0  }
.LBB2_2:
0x33: {  	p0 =	sne.s32 s7, $0x7F;
	s8 =	sand.u32 $0x2000, s8;
	s25 =	sshrl.u32 s25, $0x2;
	[tilespmem:s6+$0x50] =	vst v0  }
0x34: {  	s21 =	sand.u32 $0x380, s21;
	s8 =	sor.u32 s25, s8;
	[tilespmem:s6+$0x60] =	vst v0  }
0x35: {  	s8 =	sor.u32 s21, s8;
	[tilespmem:s6+$0x70] =	vst v0  }
.Ltmp2:
0x36: {  	s6 =	sadd.s32 $0x18400, s8;
	[tilespmem:s8+$0x18400] =	vst v0;
	(pc) =	sbr.rel @p0 .LBB2_2-.Ltmp2, $4  }
0x37: {  	[tilespmem:s6+$0x10] =	vst v0  }
0x38: {  	[tilespmem:s6+$0x20] =	vst v0  }
0x39: {  	s11 =	sadd.s32 $0x1000, s11;
	s21 =	sshll.u32 s7, $0x4;
	[tilespmem:s6+$0x30] =	vst v0  }
0x3a: {  	s25 =	sand.u32 $0x7000, s11;
	s8 =	sshll.u32 s7, $0x7;
	s7 =	sadd.s32 $0x1, s7;
	[tilespmem:s6+$0x40] =	vst v0  }
0x3b: {  	(v2sf) =	vpush v4, $0x0  }
0x3c: {  	(v2sf) =	vpush v4, $0x1  }
0x3d: {  	(v2sf) =	vpush v4, $0x2  }
0x3e: {  	(v2sf) =	vpush v4, $0x3  }
0x3f: {  	(v2sf) =	vpush v4, $0x4;
	_ =	sdelay $0xa  }
0x40: {  	s11 =	spop (v2sf)  }
0x41: {  	s1 =	spop (v2sf)  }
0x42: {  	s0 =	spop (v2sf)  }
0x43: {  	s18 =	spop (v2sf)  }
0x44: {  	s7 =	spop (v2sf)  }
0x45: {  	s9 =	sand.u32 $0x7, s7  }
0x46: {  	s20 =	sshra.s32 s7, $0x1F;
	p1 =	slt.s32 s7, $0x1;
	p0 =	sne.s32 s9, $0x0  }
0x47: {  	s8 =	sand.u32 $0x2000, s8;
	s9 =	sshrl.u32 s20, $0x1D;
	p0 =	por !p1, !p0  }
0x48: {  	s7 =	sadd.s32 s9, s7;
	s9 =	simm.s32 $0x1;
	p0 =	por !p0, !p0  }
0x49: {  	s25 =	sshrl.u32 s25, $0x2;
	s7 =	sshra.s32 s7, $0x3;
	s9 =	simm.s32 @!p0 $0x0  }
0x4a: {  	s21 =	sand.u32 $0x380, s21;
	s8 =	sor.u32 s25, s8;
	s2 =	ssub.s32 s7, s9  }
0x4b: {  	s22 =	sor.u32 s21, s8;
	s23 =	sshll.u32 s2, $0x3  }
0x4c: {  	s8 =	simm.s32 $0x1;
	s25 =	ssub.s32 $0x800, s23;
	p0 =	sne.s32 s23, $0x800  }
0x4d: {  	s24 =	sshra.s32 s25, $0x1F;
	s8 =	simm.s32 @!p0 $0x0;
	s26 =	sshrl.u32 s25, $0x3  }
0x4e: {  	[tilespmem:s6+$0x50] =	vst v0;
	s29 =	sor.u32 s8, s24;
	s31 =	sand.u32 $0x1, s26  }
0x4f: {  	[tilespmem:s6+$0x60] =	vst v0;
	p5 =	sne.s32 s29, $0x1;
	p6 =	seq.s32 s31, $0x1  }
0x50: {  	[tilespmem:s6+$0x70] =	vst v0;
	s6 =	sshrl.u32 s24, $0x1C;
	p0 =	por !p6, !p5  }
0x51: {  	s8 =	simm.s32 $0x1;
	s6 =	sadd.s32 s6, s25;
	p0 =	por !p0, !p0  }
0x52: {  	[tilespmem:s22+$0x18400] =	vst v0;
	s28 =	sadd.s32 $0x18400, s22;
	s7 =	sshra.s32 s6, $0x4;
	s8 =	simm.s32 @!p0 $0x0  }
0x53: {  	[tilespmem:s28+$0x10] =	vst v0;
	s6 =	ssub.s32 s7, s8  }
0x54: {  	[tilespmem:s28+$0x20] =	vst v0;
	p1 =	slt.s32 s6, $0x1  }
.Ltmp3:
0x55: {  	[tilespmem:s28+$0x30] =	vst v0;
	(pc) =	sbr.rel @p1 .LBB2_11-.Ltmp3, $4  }
0x56: {  	[tilespmem:s28+$0x40] =	vst v0  }
0x57: {  	[tilespmem:s28+$0x50] =	vst v0  }
0x58: {  	[tilespmem:s28+$0x60] =	vst v0;
	[dreg:$0x19] =	wrdreg s0  }
0x59: {  	[tilespmem:s28+$0x70] =	vst v0;
	[dreg:$0x18] =	wrdreg s18  }
0x5a: {  	s8 =	rddreg [dreg:$0xb]  }
0x5b: {  	s0 =	simm.s32 $0x18400;
	p1 =	seq.s32 s6, $0x1;
	s10 =	rddreg [dreg:$0xc]  }
0x5c: {  	[hbm4b:s8+s5] =	stream.linear.scatter [tilespmem:s0], [sflag:$0x1], $0x4000, $0x38;
	[tilespmem:$0x1C400] =	vst v63  }
0x5d: {  	s8 =	simm.s32 @!p1 $0x0;
	s9 =	simm.s32 @!p1 $0x18400;
	p2 =	seq.s32 @!p1 s6, $0x2  }
0x5e: {  	[hbm4b:s10+s8] =	stream.linear.scatter @!p1 [tilespmem:s9], [sflag:$0x1], $0x4000, $0x38;
	[tilespmem:$0x1C400] =	vst v63  }
0x5f: {  	p1 =	por p1, p2;
	s10 =	rddreg [dreg:$0xf]  }
0x60: {  	s8 =	simm.s32 @!p1 $0x0;
	s9 =	simm.s32 @!p1 $0x18400;
	p2 =	seq.s32 @!p1 s6, $0x3  }
0x61: {  	[hbm4b:s10+s8] =	stream.linear.scatter @!p1 [tilespmem:s9], [sflag:$0x1], $0x4000, $0x38;
	[tilespmem:$0x1C400] =	vst v63  }
0x62: {  	p1 =	por p1, p2;
	s10 =	rddreg [dreg:$0x10]  }
0x63: {  	s8 =	simm.s32 @!p1 $0x0;
	s9 =	simm.s32 @!p1 $0x18400;
	p2 =	seq.s32 @!p1 s6, $0x4  }
0x64: {  	[hbm4b:s10+s8] =	stream.linear.scatter @!p1 [tilespmem:s9], [sflag:$0x1], $0x4000, $0x38;
	[tilespmem:$0x1C400] =	vst v63  }
0x65: {  	p1 =	por p1, p2  }
.Ltmp4:
0x66: {  	_ = 	snop;
	(pc) =	sbr.rel @p1 .LBB2_8-.Ltmp4, $1  }
0x67: {  	_ =	sdelay $0x3  }
0x68: {  	s8 =	simm.s32 $0xFFFFFFFF  }
0x69: {  	s8 =	simm.s32 @!p0 $0x0  }
0x6a: {  	s7 =	sadd.s32 s8, s7  }
0x6b: {  	s7 =	sadd.s32 $0xFFFFFFFC, s7  }
0x6c: {  	p0 =	sne.s32 s7, $0x1  }
.Ltmp5:
0x6d: {  	s9 =	rddreg [dreg:$0xd];
	(pc) =	sbr.rel @!p0 .LBB2_7-.Ltmp5, $4  }
0x6e: {  	s31 =	sshrl.u32 s9, $0x3  }
0x6f: {  	s8 =	sadd.s32 s4, s31  }
0x70: {  	[hbm4b:s8+s5] =	stream.linear.scatter [tilespmem:s0], [sflag:$0x1], $0x4000, $0x38;
	[tilespmem:$0x1C400] =	vst v63  }
0x71: {  	s8 =	sadd.s32 $0xFFFFC000, s9;
	s7 =	sadd.s32 $0xFFFFFFFF, s7;
	_ =	swait.ge [sflag:s30], $0x4000  }
.LBB2_6:
0x72: {  	s9 =	sshrl.u32 s8, $0x3;
	[sflag:s30] =	ssyncset.done $0x0;
	p0 =	sne.s32 s7, $0x1  }
.Ltmp6:
0x73: {  	s9 =	sadd.s32 s4, s9;
	[sflag:s30] =	ssyncadd.s32 $0xFFFFC000;
	(pc) =	sbr.rel @p0 .LBB2_6-.Ltmp6, $3  }
0x74: {  	[hbm4b:s9+s5] =	stream.linear.scatter [tilespmem:s0], [sflag:$0x1], $0x4000, $0x38;
	[tilespmem:$0x1C400] =	vst v63  }
0x75: {  	s7 =	sadd.s32 $0xFFFFFFFF, s7;
	_ =	sdelay $0x1  }
0x76: {  	s8 =	sadd.s32 $0xFFFFC000, s8;
	_ =	swait.ge [sflag:s30], $0x4000  }
.LBB2_7:
0x77: {  	[sflag:s30] =	ssyncset.done $0x0  }
0x78: {  	[sflag:s30] =	ssyncadd.s32 $0xFFFFC000  }
.LBB2_8:
0x79: {  	s7 =	smin.u32 s6, $0x4  }
0x7a: {  	p0 =	sne.s32 s7, $0x1  }
.Ltmp7:
0x7b: {  	_ = 	snop;
	(pc) =	sbr.rel @!p0 .LBB2_10-.Ltmp7, $3  }
0x7c: {  	_ =	sdelay $0x1  }
0x7d: {  	_ =	swait.ge [sflag:s30], $0x4000  }
0x7e: {  	s7 =	sadd.s32 $0xFFFFFFFF, s7;
	[sflag:s30] =	ssyncset.done $0x0  }
.LBB2_9:
0x7f: {  	p0 =	sne.s32 s7, $0x1;
	s7 =	sadd.s32 $0xFFFFFFFF, s7;
	[sflag:s30] =	ssyncadd.s32 $0xFFFFC000  }
.Ltmp8:
0x80: {  	(pc) =	sbr.rel @p0 .LBB2_9-.Ltmp8, $3  }
0x81: {  	_ =	sdelay $0x1  }
0x82: {  	_ =	swait.ge [sflag:s30], $0x4000  }
0x83: {  	[sflag:s30] =	ssyncset.done $0x0  }
.LBB2_10:
0x84: {  	[sflag:s30] =	ssyncadd.s32 $0xFFFFC000  }
.LBB2_11:
0x85: {  	s7 =	sand.u32 $0x7, s11  }
0x86: {  	s8 =	sshra.s32 s11, $0x1F;
	p0 =	slt.s32 s11, $0x1;
	p1 =	sne.s32 s7, $0x0  }
0x87: {  	s21 =	sshrl.u32 s8, $0x1D;
	p0 =	por !p0, !p1  }
0x88: {  	s8 =	simm.s32 $0x1;
	s7 =	sadd.s32 s21, s11;
	p0 =	por !p0, !p0  }
0x89: {  	s7 =	sshrl.u32 s7, $0x3;
	s8 =	simm.s32 @!p0 $0x0  }
0x8a: {  	s6 =	sshll.u32 s6, $0x4;
	s7 =	ssub.s32 s7, s8  }
0x8b: {  	s6 =	ssub.s32 s25, s6;
	s25 =	sshll.u32 s7, $0x3  }
0x8c: {  	p0 =	sne.s32 s6, $0x8;
	s22 =	ssub.s32 s1, s25  }
0x8d: {  	s9 =	rddreg [dreg:$0x9];
	s21 =	simm.s32 @!p0 $0x0;
	s23 =	sadd.s32 $0x2F, s22  }
0x8e: {  	s7 =	sshll.u32 @!p0 s2, $0xA;
	s24 =	smulhi.u32 $0x2AAAAAAB, s23;
	s26 =	sshra.s32 s23, $0x1F  }
0x8f: {  	s10 =	simm.s32 @!p0 $0x18400;
	s7 =	sadd.s32 @!p0 s7, s9;
	s11 =	smul.u32 $0x2AAAAAAB, s26  }
0x90: {  	[hbm4b:s7+s21] =	stream.linear.scatter @!p0 [tilespmem:s10], [sflag:$0x6], $0x2000, $0x38;
	[tilespmem:$0x1C400] =	vst v63  }
0x91: {  	s28 =	sadd.s32 s11, s24  }
0x92: {  	s9 =	sshrl.u32 s28, $0x1F;
	s7 =	sshra.s32 s28, $0x3  }
0x93: {  	s7 =	sadd.s32 s9, s7  }
0x94: {  	s9 =	smul.u32 $0xFFFFFFD0, s7  }
0x95: {  	s6 =	ssub.s32 $0xFFFFFFD1, s22  }
0x96: {  	p4 =	slt.s32 s23, $0x1;
	p2 =	sne.s32 s9, s6  }
0x97: {  	p1 =	por !p4, !p2  }
0x98: {  	s6 =	simm.s32 $0x1;
	p1 =	por !p1, !p1  }
0x99: {  	s6 =	simm.s32 @!p1 $0x0  }
0x9a: {  	s1 =	ssub.s32 s7, s6  }
0x9b: {  	s6 =	sadd.s32 $0x1, s1  }
0x9c: {  	s29 =	sand.u32 $0x1, s6  }
0x9d: {  	p5 =	slt.s32 s1, $0x0;
	p6 =	seq.s32 s29, $0x1  }
0x9e: {  	s31 =	sshrl.u32 s6, $0x1F;
	p1 =	por !p5, !p6  }
0x9f: {  	s7 =	simm.s32 $0x1;
	s6 =	sadd.s32 s31, s6;
	p1 =	por !p1, !p1  }
0xa0: {  	s6 =	sshra.s32 s6, $0x1;
	s7 =	simm.s32 @!p1 $0x0  }
0xa1: {  	s11 =	ssub.s32 s6, s7  }
0xa2: {  	p1 =	slt.s32 s11, $0x1  }
.Ltmp9:
0xa3: {  	_ = 	snop;
	(pc) =	sbr.rel @!p1 .LBB2_12-.Ltmp9, $4  }
0xa4: {  	s8 =	simm.s32 @!p0 $0x6  }
0xa5: {  	_ =	swait.ge @!p0 [sflag:s8], $0x2000  }
0xa6: {  	[sflag:s8] =	ssyncset.done @!p0 $0x0  }
0xa7: {  	[sflag:s8] =	ssyncadd.s32 @!p0 $0xFFFFE000;
	[dreg:$0x1a] =	wrdreg s1;
	s6 =	simm.s32 $0x0  }
.LBB2_17:
0xa8: {  	s0 =	rddreg [dreg:$0x19]  }
0xa9: {  	s6 =	sand.u32 $0x7, s0  }
0xaa: {  	s7 =	sshra.s32 s0, $0x1F;
	p0 =	slt.s32 s0, $0x1;
	p1 =	sne.s32 s6, $0x0  }
0xab: {  	s25 =	sshrl.u32 s7, $0x1D;
	p0 =	por !p0, !p1  }
0xac: {  	s7 =	simm.s32 $0x1;
	s6 =	sadd.s32 s25, s0;
	p0 =	por !p0, !p0  }
0xad: {  	s6 =	sshrl.u32 s6, $0x3;
	s7 =	simm.s32 @!p0 $0x0  }
0xae: {  	s6 =	ssub.s32 s6, s7  }
0xaf: {  	s26 =	rddreg [dreg:$0x18];
	s25 =	sshll.u32 s6, $0x3  }
0xb0: {  	s6 =	ssub.s32 s26, s25  }
0xb1: {  	s28 =	sadd.s32 $0x2F, s6  }
0xb2: {  	s8 =	smulhi.u32 $0x2AAAAAAB, s28;
	s9 =	sshra.s32 s28, $0x1F  }
0xb3: {  	s9 =	smul.u32 $0x2AAAAAAB, s9;
	_ =	sdelay $0x1  }
0xb4: {  	s8 =	sadd.s32 s9, s8  }
0xb5: {  	s9 =	sshrl.u32 s8, $0x1F;
	s8 =	sshra.s32 s8, $0x3  }
0xb6: {  	s8 =	sadd.s32 s9, s8  }
0xb7: {  	s9 =	smul.u32 $0xFFFFFFD0, s8  }
0xb8: {  	s6 =	ssub.s32 $0xFFFFFFD1, s6  }
0xb9: {  	p4 =	slt.s32 s28, $0x1;
	p5 =	sne.s32 s9, s6  }
0xba: {  	p0 =	por !p4, !p5  }
0xbb: {  	p1 =	slt.s32 s1, $0x1;
	s6 =	simm.s32 $0x1;
	p0 =	por !p0, !p0  }
0xbc: {  	s7 =	simm.s32 @!p1 $0x4;
	s6 =	simm.s32 @!p0 $0x0  }
0xbd: {  	_ =	swait.ge @!p1 [sflag:s7], $0xC000;
	s0 =	ssub.s32 s8, s6  }
0xbe: {  	[sflag:s7] =	ssyncset.done @!p1 $0x0;
	s6 =	sadd.s32 $0x1, s0  }
0xbf: {  	[sflag:s7] =	ssyncadd.s32 @!p1 $0xFFFF4000;
	s29 =	sand.u32 $0x1, s6  }
0xc0: {  	s7 =	simm.s32 $0x1;
	p2 =	slt.s32 s0, $0x0;
	p3 =	seq.s32 s29, $0x1  }
0xc1: {  	p0 =	seq.s32 @!p1 s1, $0x1;
	s31 =	sshrl.u32 s6, $0x1F;
	p6 =	por !p2, !p3  }
0xc2: {  	p0 =	por p0, p1;
	s6 =	sadd.s32 s31, s6;
	p1 =	por !p6, !p6  }
0xc3: {  	s6 =	sshra.s32 s6, $0x1;
	s7 =	simm.s32 @!p1 $0x0  }
0xc4: {  	s21 =	ssub.s32 s6, s7  }
0xc5: {  	p1 =	slt.s32 s21, $0x1  }
.Ltmp10:
0xc6: {  	_ = 	snop;
	(pc) =	sbr.rel @!p1 .LBB2_18-.Ltmp10, $4  }
.Ltmp11:
0xc7: {  	s8 =	simm.s32 @!p0 $0x5;
	(pc) =	sbr.rel @p1 .LBB2_23-.Ltmp11, $4  }
0xc8: {  	_ =	swait.ge @!p0 [sflag:s8], $0xC000  }
0xc9: {  	[sflag:s8] =	ssyncset.done @!p0 $0x0  }
0xca: {  	[dreg:$0x1b] =	wrdreg s0;
	[sflag:s8] =	ssyncadd.s32 @!p0 $0xFFFF4000;
	s6 =	simm.s32 $0x0  }
0xcb: {  	_ = 	snop  }
.LBB2_16:
0xcc: {  	s11 =	sadd.s32 $0xFFFFFFFF, s11  }
0xcd: {  	p0 =	sne.s32 s11, $0x0  }
.Ltmp12:
0xce: {  	_ = 	snop;
	(pc) =	sbr.rel @!p0 .LBB2_17-.Ltmp12, $2  }
0xcf: {  	_ =	sdelay $0x2  }
0xd0: {  	s6 =	sadd.s32 $0x2, s6;
	s25 =	sadd.s32 $0x60, s25  }
.LBB2_12:
0xd1: {  	p1 =	sge.s32 s6, s1  }
.Ltmp13:
0xd2: {  	_ = 	snop;
	(pc) =	sbr.rel @p1 .LBB2_14-.Ltmp13, $2  }
0xd3: {  	_ =	sdelay $0x2  }
0xd4: {  	p0 =	seq.s32 s6, $0x0  }
0xd5: {  	s7 =	simm.s32 @!p0 $0x4;
	p1 =	slt.s32 s25, $0x7FD0;
	s8 =	smov.u32 s25  }
0xd6: {  	_ =	swait.ge @!p0 [sflag:s7], $0xC000;
	s8 =	simm.s32 @!p1 $0x7FD0  }
0xd7: {  	[sflag:s7] =	ssyncset.done @!p0 $0x0;
	s8 =	sshrl.u32 s8, $0x3;
	s0 =	rddreg [dreg:$0x5]  }
0xd8: {  	s3 =	simm.s32 $0x200;
	[sflag:s7] =	ssyncadd.s32 @!p0 $0xFFFF4000;
	s23 =	sadd.s32 s0, s8  }
0xd9: {  	[tilespmem:s3], [sflag:$0x6] =	stream.linear.gather [hbm4b:s23+s5], $0x30, $0x38;
	[tilespmem:$0x1C400] =	vst v63  }
0xda: {  	_ =	swait.ge [sflag:s19], $0x30  }
0xdb: {  	[sflag:s19] =	ssyncset.done $0x0;
	s24 =	rddreg [dreg:$0x6]  }
0xdc: {  	s28 =	simm.s32 $0x280;
	[sflag:s19] =	ssyncadd.s32 $0xFFFFFFD0;
	s26 =	sadd.s32 s24, s8  }
0xdd: {  	[tilespmem:s28], [sflag:$0x6] =	stream.linear.gather [hbm4b:s26+s5], $0x30, $0x38;
	[tilespmem:$0x1C400] =	vst v63  }
0xde: {  	_ =	swait.ge [sflag:s19], $0x30  }
0xdf: {  	[sflag:s19] =	ssyncset.done $0x0  }
0xe0: {  	[sflag:s19] =	ssyncadd.s32 $0xFFFFFFD0  }
0xe1: {  	v4 =	vld [tilespmem:$0x200];
	_ =	sdelay $0x4  }
0xe2: {  	v5 =	vshll.u32 v4, $0x3  }
0xe3: {  	v4 =	vand.u32 $0x7, v4;
	v5 =	vand.u32 $0xFFFFFFC0, v5  }
0xe4: {  	v4 =	vor.u32 v4, v5  }
0xe5: {  	v5 =	vperm.xlane v4, v1;
	_ =	sdelay $0x1  }
0xe6: {  	v5 =	vadd.s32 v2, v5;
	_ =	sdelay $0x3  }
0xe7: {  	s3 =	simm.s32 $0x400;
	s2 =	rddreg [dreg:$0x0]  }
0xe8: {  	[tilespmem:s3], [sflag:$0x2] =	stream.indirect_vreg.gather [hbm4b:s2+s5], $0x80, v5, vm0, $0xb8;
	[tilespmem:$0x1C400] =	vst v63  }
0xe9: {  	s7 =	simm.s32 $0xC00;
	s13 =	rddreg [dreg:$0x11];
	v4 =	vperm.xlane v4, v3  }
0xea: {  	[tilespmem:s7], [sflag:$0x2] =	stream.indirect_vreg.gather [hbm4b:s13+s5], $0x80, v5, vm0, $0xb8;
	[tilespmem:$0x1C400] =	vst v63  }
0xeb: {  	s8 =	simm.s32 $0x1400;
	s14 =	rddreg [dreg:$0x12];
	v4 =	vadd.s32 v2, v4  }
0xec: {  	[tilespmem:s8], [sflag:$0x2] =	stream.indirect_vreg.gather [hbm4b:s14+s5], $0x80, v5, vm0, $0xb8;
	[tilespmem:$0x1C400] =	vst v63  }
0xed: {  	s22 =	simm.s32 $0x1C00;
	s18 =	rddreg [dreg:$0x13]  }
0xee: {  	[tilespmem:s22], [sflag:$0x2] =	stream.indirect_vreg.gather [hbm4b:s18+s5], $0x80, v5, vm0, $0xb8;
	[tilespmem:$0x1C400] =	vst v63  }
0xef: {  	s23 =	simm.s32 $0x2400  }
0xf0: {  	[tilespmem:s23], [sflag:$0x2] =	stream.indirect_vreg.gather [hbm4b:s2+s5], $0x80, v4, vm0, $0xb8;
	[tilespmem:$0x1C400] =	vst v63  }
0xf1: {  	s24 =	simm.s32 $0x2C00  }
0xf2: {  	[tilespmem:s24], [sflag:$0x2] =	stream.indirect_vreg.gather [hbm4b:s13+s5], $0x80, v4, vm0, $0xb8;
	[tilespmem:$0x1C400] =	vst v63  }
0xf3: {  	s26 =	simm.s32 $0x3400  }
0xf4: {  	[tilespmem:s26], [sflag:$0x2] =	stream.indirect_vreg.gather [hbm4b:s14+s5], $0x80, v4, vm0, $0xb8;
	[tilespmem:$0x1C400] =	vst v63  }
0xf5: {  	s10 =	simm.s32 $0x3C00  }
0xf6: {  	[tilespmem:s10], [sflag:$0x2] =	stream.indirect_vreg.gather [hbm4b:s18+s5], $0x80, v4, vm0, $0xb8;
	[tilespmem:$0x1C400] =	vst v63  }
0xf7: {  	v4 =	vld [tilespmem:$0x210];
	_ =	sdelay $0x4  }
0xf8: {  	v5 =	vshll.u32 v4, $0x3  }
0xf9: {  	v4 =	vand.u32 $0x7, v4;
	v5 =	vand.u32 $0xFFFFFFC0, v5  }
0xfa: {  	v4 =	vor.u32 v4, v5  }
0xfb: {  	v5 =	vperm.xlane v4, v1;
	_ =	sdelay $0x1  }
0xfc: {  	v5 =	vadd.s32 v2, v5;
	_ =	sdelay $0x3  }
0xfd: {  	s0 =	simm.s32 $0x4400  }
0xfe: {  	[tilespmem:s0], [sflag:$0x2] =	stream.indirect_vreg.gather [hbm4b:s2+s5], $0x80, v5, vm0, $0xb8;
	[tilespmem:$0x1C400] =	vst v63  }
0xff: {  	s28 =	simm.s32 $0x4C00;
	v4 =	vperm.xlane v4, v3  }
0x100: {  	[tilespmem:s28], [sflag:$0x2] =	stream.indirect_vreg.gather [hbm4b:s13+s5], $0x80, v5, vm0, $0xb8;
	[tilespmem:$0x1C400] =	vst v63  }
0x101: {  	s1 =	simm.s32 $0x5400;
	v4 =	vadd.s32 v2, v4  }
0x102: {  	[tilespmem:s1], [sflag:$0x2] =	stream.indirect_vreg.gather [hbm4b:s14+s5], $0x80, v5, vm0, $0xb8;
	[tilespmem:$0x1C400] =	vst v63  }
0x103: {  	s12 =	simm.s32 $0x5C00  }
0x104: {  	[tilespmem:s12], [sflag:$0x2] =	stream.indirect_vreg.gather [hbm4b:s18+s5], $0x80, v5, vm0, $0xb8;
	[tilespmem:$0x1C400] =	vst v63  }
0x105: {  	s21 =	simm.s32 $0x6400  }
0x106: {  	[tilespmem:s21], [sflag:$0x2] =	stream.indirect_vreg.gather [hbm4b:s2+s5], $0x80, v4, vm0, $0xb8;
	[tilespmem:$0x1C400] =	vst v63  }
0x107: {  	s31 =	simm.s32 $0x6C00  }
0x108: {  	[tilespmem:s31], [sflag:$0x2] =	stream.indirect_vreg.gather [hbm4b:s13+s5], $0x80, v4, vm0, $0xb8;
	[tilespmem:$0x1C400] =	vst v63  }
0x109: {  	s9 =	simm.s32 $0x7400  }
0x10a: {  	[tilespmem:s9], [sflag:$0x2] =	stream.indirect_vreg.gather [hbm4b:s14+s5], $0x80, v4, vm0, $0xb8;
	[tilespmem:$0x1C400] =	vst v63  }
0x10b: {  	s29 =	simm.s32 $0x7C00  }
0x10c: {  	[tilespmem:s29], [sflag:$0x2] =	stream.indirect_vreg.gather [hbm4b:s18+s5], $0x80, v4, vm0, $0xb8;
	[tilespmem:$0x1C400] =	vst v63  }
0x10d: {  	v4 =	vld [tilespmem:$0x220];
	_ =	sdelay $0x4  }
0x10e: {  	v5 =	vshll.u32 v4, $0x3  }
0x10f: {  	v4 =	vand.u32 $0x7, v4;
	v5 =	vand.u32 $0xFFFFFFC0, v5  }
0x110: {  	v4 =	vor.u32 v4, v5  }
0x111: {  	v5 =	vperm.xlane v4, v1;
	_ =	sdelay $0x1  }
0x112: {  	v5 =	vadd.s32 v2, v5;
	_ =	sdelay $0x3  }
0x113: {  	s19 =	simm.s32 $0x8400  }
0x114: {  	[tilespmem:s19], [sflag:$0x2] =	stream.indirect_vreg.gather [hbm4b:s2+s5], $0x80, v5, vm0, $0xb8;
	[tilespmem:$0x1C400] =	vst v63  }
0x115: {  	s20 =	simm.s32 $0x8C00;
	v4 =	vperm.xlane v4, v3  }
0x116: {  	[tilespmem:s20], [sflag:$0x2] =	stream.indirect_vreg.gather [hbm4b:s13+s5], $0x80, v5, vm0, $0xb8;
	[tilespmem:$0x1C400] =	vst v63  }
0x117: {  	s9 =	simm.s32 $0x9400;
	v4 =	vadd.s32 v2, v4  }
0x118: {  	[tilespmem:s9], [sflag:$0x2] =	stream.indirect_vreg.gather [hbm4b:s14+s5], $0x80, v5, vm0, $0xb8;
	[tilespmem:$0x1C400] =	vst v63  }
0x119: {  	s20 =	simm.s32 $0x9C00  }
0x11a: {  	[tilespmem:s20], [sflag:$0x2] =	stream.indirect_vreg.gather [hbm4b:s18+s5], $0x80, v5, vm0, $0xb8;
	[tilespmem:$0x1C400] =	vst v63  }
0x11b: {  	s29 =	simm.s32 $0xA400  }
0x11c: {  	[tilespmem:s29], [sflag:$0x2] =	stream.indirect_vreg.gather [hbm4b:s2+s5], $0x80, v4, vm0, $0xb8;
	[tilespmem:$0x1C400] =	vst v63  }
0x11d: {  	s2 =	simm.s32 $0xAC00  }
0x11e: {  	[tilespmem:s2], [sflag:$0x2] =	stream.indirect_vreg.gather [hbm4b:s13+s5], $0x80, v4, vm0, $0xb8;
	[tilespmem:$0x1C400] =	vst v63  }
0x11f: {  	s13 =	simm.s32 $0xB400  }
0x120: {  	[tilespmem:s13], [sflag:$0x2] =	stream.indirect_vreg.gather [hbm4b:s14+s5], $0x80, v4, vm0, $0xb8;
	[tilespmem:$0x1C400] =	vst v63  }
0x121: {  	s14 =	simm.s32 $0xBC00  }
0x122: {  	[tilespmem:s14], [sflag:$0x2] =	stream.indirect_vreg.gather [hbm4b:s18+s5], $0x80, v4, vm0, $0xb8;
	[tilespmem:$0x1C400] =	vst v63  }
0x123: {  	s18 =	simm.s32 $0x2  }
0x124: {  	_ =	swait.ge [sflag:s18], $0xC000  }
0x125: {  	[sflag:s18] =	ssyncset.done $0x0  }
0x126: {  	[sflag:s18] =	ssyncadd.s32 $0xFFFF4000  }
0x127: {  	v4 =	vld [tilespmem:$0x280];
	_ =	sdelay $0x4  }
0x128: {  	v5 =	vshll.u32 v4, $0x3  }
0x129: {  	v4 =	vand.u32 $0x7, v4;
	v5 =	vand.u32 $0xFFFFFFC0, v5  }
0x12a: {  	v4 =	vor.u32 v4, v5  }
0x12b: {  	v5 =	vperm.xlane v4, v1;
	_ =	sdelay $0x1  }
0x12c: {  	v5 =	vadd.s32 v2, v5;
	_ =	sdelay $0x4  }
0x12d: {  	[hbm4b:s4+s5] =	stream.indirect_vreg.scatter [tilespmem:s3], [sflag:$0x4], $0x80, v5, vm0, $0xb8;
	[tilespmem:$0x1C400] =	vst v63  }
0x12e: {  	v4 =	vperm.xlane v4, v3  }
0x12f: {  	[hbm4b:s15+s5] =	stream.indirect_vreg.scatter [tilespmem:s7], [sflag:$0x4], $0x80, v5, vm0, $0xb8;
	[tilespmem:$0x1C400] =	vst v63  }
0x130: {  	v4 =	vadd.s32 v2, v4  }
0x131: {  	[hbm4b:s16+s5] =	stream.indirect_vreg.scatter [tilespmem:s8], [sflag:$0x4], $0x80, v5, vm0, $0xb8;
	[tilespmem:$0x1C400] =	vst v63  }
0x132: {  	_ = 	snop  }
0x133: {  	[hbm4b:s17+s5] =	stream.indirect_vreg.scatter [tilespmem:s22], [sflag:$0x4], $0x80, v5, vm0, $0xb8;
	[tilespmem:$0x1C400] =	vst v63  }
0x134: {  	_ = 	snop  }
0x135: {  	[hbm4b:s4+s5] =	stream.indirect_vreg.scatter [tilespmem:s23], [sflag:$0x4], $0x80, v4, vm0, $0xb8;
	[tilespmem:$0x1C400] =	vst v63  }
0x136: {  	_ = 	snop  }
0x137: {  	[hbm4b:s15+s5] =	stream.indirect_vreg.scatter [tilespmem:s24], [sflag:$0x4], $0x80, v4, vm0, $0xb8;
	[tilespmem:$0x1C400] =	vst v63  }
0x138: {  	_ = 	snop  }
0x139: {  	[hbm4b:s16+s5] =	stream.indirect_vreg.scatter [tilespmem:s26], [sflag:$0x4], $0x80, v4, vm0, $0xb8;
	[tilespmem:$0x1C400] =	vst v63  }
0x13a: {  	_ = 	snop  }
0x13b: {  	[hbm4b:s17+s5] =	stream.indirect_vreg.scatter [tilespmem:s10], [sflag:$0x4], $0x80, v4, vm0, $0xb8;
	[tilespmem:$0x1C400] =	vst v63  }
0x13c: {  	v4 =	vld [tilespmem:$0x290];
	_ =	sdelay $0x4  }
0x13d: {  	v5 =	vshll.u32 v4, $0x3  }
0x13e: {  	v4 =	vand.u32 $0x7, v4;
	v5 =	vand.u32 $0xFFFFFFC0, v5  }
0x13f: {  	v4 =	vor.u32 v4, v5  }
0x140: {  	v5 =	vperm.xlane v4, v1;
	_ =	sdelay $0x1  }
0x141: {  	v5 =	vadd.s32 v2, v5;
	_ =	sdelay $0x4  }
0x142: {  	[hbm4b:s4+s5] =	stream.indirect_vreg.scatter [tilespmem:s0], [sflag:$0x4], $0x80, v5, vm0, $0xb8;
	[tilespmem:$0x1C400] =	vst v63  }
0x143: {  	v4 =	vperm.xlane v4, v3  }
0x144: {  	[hbm4b:s15+s5] =	stream.indirect_vreg.scatter [tilespmem:s28], [sflag:$0x4], $0x80, v5, vm0, $0xb8;
	[tilespmem:$0x1C400] =	vst v63  }
0x145: {  	v4 =	vadd.s32 v2, v4  }
0x146: {  	[hbm4b:s16+s5] =	stream.indirect_vreg.scatter [tilespmem:s1], [sflag:$0x4], $0x80, v5, vm0, $0xb8;
	[tilespmem:$0x1C400] =	vst v63  }
0x147: {  	_ = 	snop  }
0x148: {  	[hbm4b:s17+s5] =	stream.indirect_vreg.scatter [tilespmem:s12], [sflag:$0x4], $0x80, v5, vm0, $0xb8;
	[tilespmem:$0x1C400] =	vst v63  }
0x149: {  	_ = 	snop  }
0x14a: {  	[hbm4b:s4+s5] =	stream.indirect_vreg.scatter [tilespmem:s21], [sflag:$0x4], $0x80, v4, vm0, $0xb8;
	[tilespmem:$0x1C400] =	vst v63  }
0x14b: {  	_ = 	snop  }
0x14c: {  	[hbm4b:s15+s5] =	stream.indirect_vreg.scatter [tilespmem:s31], [sflag:$0x4], $0x80, v4, vm0, $0xb8;
	[tilespmem:$0x1C400] =	vst v63  }
0x14d: {  	s24 =	simm.s32 $0x7400  }
0x14e: {  	[hbm4b:s16+s5] =	stream.indirect_vreg.scatter [tilespmem:s24], [sflag:$0x4], $0x80, v4, vm0, $0xb8;
	[tilespmem:$0x1C400] =	vst v63  }
0x14f: {  	s26 =	simm.s32 $0x7C00  }
0x150: {  	[hbm4b:s17+s5] =	stream.indirect_vreg.scatter [tilespmem:s26], [sflag:$0x4], $0x80, v4, vm0, $0xb8;
	[tilespmem:$0x1C400] =	vst v63  }
0x151: {  	v4 =	vld [tilespmem:$0x2A0];
	_ =	sdelay $0x4  }
0x152: {  	v5 =	vshll.u32 v4, $0x3  }
0x153: {  	v4 =	vand.u32 $0x7, v4;
	v5 =	vand.u32 $0xFFFFFFC0, v5  }
0x154: {  	v4 =	vor.u32 v4, v5  }
0x155: {  	v5 =	vperm.xlane v4, v1;
	_ =	sdelay $0x1  }
0x156: {  	v5 =	vadd.s32 v2, v5;
	_ =	sdelay $0x3  }
0x157: {  	s28 =	simm.s32 $0x8400  }
0x158: {  	[hbm4b:s4+s5] =	stream.indirect_vreg.scatter [tilespmem:s28], [sflag:$0x4], $0x80, v5, vm0, $0xb8;
	[tilespmem:$0x1C400] =	vst v63  }
0x159: {  	s31 =	simm.s32 $0x8C00;
	v4 =	vperm.xlane v4, v3  }
0x15a: {  	[hbm4b:s15+s5] =	stream.indirect_vreg.scatter [tilespmem:s31], [sflag:$0x4], $0x80, v5, vm0, $0xb8;
	[tilespmem:$0x1C400] =	vst v63  }
0x15b: {  	v4 =	vadd.s32 v2, v4  }
0x15c: {  	[hbm4b:s16+s5] =	stream.indirect_vreg.scatter [tilespmem:s9], [sflag:$0x4], $0x80, v5, vm0, $0xb8;
	[tilespmem:$0x1C400] =	vst v63  }
0x15d: {  	_ = 	snop  }
0x15e: {  	[hbm4b:s17+s5] =	stream.indirect_vreg.scatter [tilespmem:s20], [sflag:$0x4], $0x80, v5, vm0, $0xb8;
	[tilespmem:$0x1C400] =	vst v63  }
0x15f: {  	_ = 	snop  }
0x160: {  	[hbm4b:s4+s5] =	stream.indirect_vreg.scatter [tilespmem:s29], [sflag:$0x4], $0x80, v4, vm0, $0xb8;
	[tilespmem:$0x1C400] =	vst v63  }
0x161: {  	_ = 	snop  }
0x162: {  	[hbm4b:s15+s5] =	stream.indirect_vreg.scatter [tilespmem:s2], [sflag:$0x4], $0x80, v4, vm0, $0xb8;
	[tilespmem:$0x1C400] =	vst v63  }
0x163: {  	_ = 	snop  }
0x164: {  	[hbm4b:s16+s5] =	stream.indirect_vreg.scatter [tilespmem:s13], [sflag:$0x4], $0x80, v4, vm0, $0xb8;
	[tilespmem:$0x1C400] =	vst v63  }
0x165: {  	s19 =	simm.s32 $0x6;
	s1 =	rddreg [dreg:$0x1a]  }
0x166: {  	[hbm4b:s17+s5] =	stream.indirect_vreg.scatter [tilespmem:s14], [sflag:$0x4], $0x80, v4, vm0, $0xb8;
	[tilespmem:$0x1C400] =	vst v63  }
.LBB2_14:
0x167: {  	s7 =	sadd.s32 $0x1, s6  }
0x168: {  	p1 =	sge.s32 s7, s1  }
.Ltmp14:
0x169: {  	_ = 	snop;
	(pc) =	sbr.rel @p1 .LBB2_16-.Ltmp14, $1  }
0x16a: {  	_ =	sdelay $0x3  }
0x16b: {  	s7 =	sadd.s32 $0x30, s25  }
0x16c: {  	s8 =	simm.s32 @!p0 $0x5;
	p1 =	slt.s32 s7, $0x7FD0  }
0x16d: {  	_ =	swait.ge @!p0 [sflag:s8], $0xC000;
	s7 =	simm.s32 @!p1 $0x7FD0  }
0x16e: {  	[sflag:s8] =	ssyncset.done @!p0 $0x0;
	s0 =	rddreg [dreg:$0x5];
	s7 =	sshrl.u32 s7, $0x3  }
0x16f: {  	s3 =	simm.s32 $0x300;
	[sflag:s8] =	ssyncadd.s32 @!p0 $0xFFFF4000;
	s2 =	sadd.s32 s0, s7  }
0x170: {  	[tilespmem:s3], [sflag:$0x6] =	stream.linear.gather [hbm4b:s2+s5], $0x30, $0x38;
	[tilespmem:$0x1C400] =	vst v63  }
0x171: {  	_ =	swait.ge [sflag:s19], $0x30  }
0x172: {  	[sflag:s19] =	ssyncset.done $0x0;
	s8 =	rddreg [dreg:$0x6]  }
0x173: {  	s9 =	simm.s32 $0x380;
	[sflag:s19] =	ssyncadd.s32 $0xFFFFFFD0;
	s7 =	sadd.s32 s8, s7  }
0x174: {  	[tilespmem:s9], [sflag:$0x6] =	stream.linear.gather [hbm4b:s7+s5], $0x30, $0x38;
	[tilespmem:$0x1C400] =	vst v63  }
0x175: {  	_ =	swait.ge [sflag:s19], $0x30  }
0x176: {  	[sflag:s19] =	ssyncset.done $0x0  }
0x177: {  	[sflag:s19] =	ssyncadd.s32 $0xFFFFFFD0  }
0x178: {  	v4 =	vld [tilespmem:$0x300];
	_ =	sdelay $0x4  }
0x179: {  	v5 =	vshll.u32 v4, $0x3  }
0x17a: {  	v4 =	vand.u32 $0x7, v4;
	v5 =	vand.u32 $0xFFFFFFC0, v5  }
0x17b: {  	v4 =	vor.u32 v4, v5  }
0x17c: {  	v5 =	vperm.xlane v4, v1;
	_ =	sdelay $0x1  }
0x17d: {  	v5 =	vadd.s32 v2, v5;
	_ =	sdelay $0x3  }
0x17e: {  	s2 =	simm.s32 $0xC400;
	s0 =	rddreg [dreg:$0x0]  }
0x17f: {  	[tilespmem:s2], [sflag:$0x3] =	stream.indirect_vreg.gather [hbm4b:s0+s5], $0x80, v5, vm0, $0xb8;
	[tilespmem:$0x1C400] =	vst v63  }
0x180: {  	s8 =	simm.s32 $0xCC00;
	s1 =	rddreg [dreg:$0x11];
	v4 =	vperm.xlane v4, v3  }
0x181: {  	[tilespmem:s8], [sflag:$0x3] =	stream.indirect_vreg.gather [hbm4b:s1+s5], $0x80, v5, vm0, $0xb8;
	[tilespmem:$0x1C400] =	vst v63  }
0x182: {  	s9 =	simm.s32 $0xD400;
	s3 =	rddreg [dreg:$0x12];
	v4 =	vadd.s32 v2, v4  }
0x183: {  	[tilespmem:s9], [sflag:$0x3] =	stream.indirect_vreg.gather [hbm4b:s3+s5], $0x80, v5, vm0, $0xb8;
	[tilespmem:$0x1C400] =	vst v63  }
0x184: {  	s10 =	simm.s32 $0xDC00;
	s7 =	rddreg [dreg:$0x13]  }
0x185: {  	[tilespmem:s10], [sflag:$0x3] =	stream.indirect_vreg.gather [hbm4b:s7+s5], $0x80, v5, vm0, $0xb8;
	[tilespmem:$0x1C400] =	vst v63  }
0x186: {  	s12 =	simm.s32 $0xE400  }
0x187: {  	[tilespmem:s12], [sflag:$0x3] =	stream.indirect_vreg.gather [hbm4b:s0+s5], $0x80, v4, vm0, $0xb8;
	[tilespmem:$0x1C400] =	vst v63  }
0x188: {  	s13 =	simm.s32 $0xEC00  }
0x189: {  	[tilespmem:s13], [sflag:$0x3] =	stream.indirect_vreg.gather [hbm4b:s1+s5], $0x80, v4, vm0, $0xb8;
	[tilespmem:$0x1C400] =	vst v63  }
0x18a: {  	s14 =	simm.s32 $0xF400  }
0x18b: {  	[tilespmem:s14], [sflag:$0x3] =	stream.indirect_vreg.gather [hbm4b:s3+s5], $0x80, v4, vm0, $0xb8;
	[tilespmem:$0x1C400] =	vst v63  }
0x18c: {  	s18 =	simm.s32 $0xFC00  }
0x18d: {  	[tilespmem:s18], [sflag:$0x3] =	stream.indirect_vreg.gather [hbm4b:s7+s5], $0x80, v4, vm0, $0xb8;
	[tilespmem:$0x1C400] =	vst v63  }
0x18e: {  	v4 =	vld [tilespmem:$0x310];
	_ =	sdelay $0x4  }
0x18f: {  	v5 =	vshll.u32 v4, $0x3  }
0x190: {  	v4 =	vand.u32 $0x7, v4;
	v5 =	vand.u32 $0xFFFFFFC0, v5  }
0x191: {  	v4 =	vor.u32 v4, v5  }
0x192: {  	v5 =	vperm.xlane v4, v1;
	_ =	sdelay $0x1  }
0x193: {  	v5 =	vadd.s32 v2, v5;
	_ =	sdelay $0x3  }
0x194: {  	s20 =	simm.s32 $0x10400  }
0x195: {  	[tilespmem:s20], [sflag:$0x3] =	stream.indirect_vreg.gather [hbm4b:s0+s5], $0x80, v5, vm0, $0xb8;
	[tilespmem:$0x1C400] =	vst v63  }
0x196: {  	s21 =	simm.s32 $0x10C00;
	v4 =	vperm.xlane v4, v3  }
0x197: {  	[tilespmem:s21], [sflag:$0x3] =	stream.indirect_vreg.gather [hbm4b:s1+s5], $0x80, v5, vm0, $0xb8;
	[tilespmem:$0x1C400] =	vst v63  }
0x198: {  	s22 =	simm.s32 $0x11400;
	v4 =	vadd.s32 v2, v4  }
0x199: {  	[tilespmem:s22], [sflag:$0x3] =	stream.indirect_vreg.gather [hbm4b:s3+s5], $0x80, v5, vm0, $0xb8;
	[tilespmem:$0x1C400] =	vst v63  }
0x19a: {  	s23 =	simm.s32 $0x11C00  }
0x19b: {  	[tilespmem:s23], [sflag:$0x3] =	stream.indirect_vreg.gather [hbm4b:s7+s5], $0x80, v5, vm0, $0xb8;
	[tilespmem:$0x1C400] =	vst v63  }
0x19c: {  	s24 =	simm.s32 $0x12400  }
0x19d: {  	[tilespmem:s24], [sflag:$0x3] =	stream.indirect_vreg.gather [hbm4b:s0+s5], $0x80, v4, vm0, $0xb8;
	[tilespmem:$0x1C400] =	vst v63  }
0x19e: {  	s26 =	simm.s32 $0x12C00  }
0x19f: {  	[tilespmem:s26], [sflag:$0x3] =	stream.indirect_vreg.gather [hbm4b:s1+s5], $0x80, v4, vm0, $0xb8;
	[tilespmem:$0x1C400] =	vst v63  }
0x1a0: {  	s28 =	simm.s32 $0x13400  }
0x1a1: {  	[tilespmem:s28], [sflag:$0x3] =	stream.indirect_vreg.gather [hbm4b:s3+s5], $0x80, v4, vm0, $0xb8;
	[tilespmem:$0x1C400] =	vst v63  }
0x1a2: {  	s29 =	simm.s32 $0x13C00  }
0x1a3: {  	[tilespmem:s29], [sflag:$0x3] =	stream.indirect_vreg.gather [hbm4b:s7+s5], $0x80, v4, vm0, $0xb8;
	[tilespmem:$0x1C400] =	vst v63  }
0x1a4: {  	v4 =	vld [tilespmem:$0x320];
	_ =	sdelay $0x4  }
0x1a5: {  	v5 =	vshll.u32 v4, $0x3  }
0x1a6: {  	v4 =	vand.u32 $0x7, v4;
	v5 =	vand.u32 $0xFFFFFFC0, v5  }
0x1a7: {  	v4 =	vor.u32 v4, v5  }
0x1a8: {  	v5 =	vperm.xlane v4, v1;
	_ =	sdelay $0x1  }
0x1a9: {  	v5 =	vadd.s32 v2, v5;
	_ =	sdelay $0x3  }
0x1aa: {  	s31 =	simm.s32 $0x14400  }
0x1ab: {  	[tilespmem:s31], [sflag:$0x3] =	stream.indirect_vreg.gather [hbm4b:s0+s5], $0x80, v5, vm0, $0xb8;
	[tilespmem:$0x1C400] =	vst v63  }
0x1ac: {  	s12 =	simm.s32 $0x14C00;
	v4 =	vperm.xlane v4, v3  }
0x1ad: {  	[tilespmem:s12], [sflag:$0x3] =	stream.indirect_vreg.gather [hbm4b:s1+s5], $0x80, v5, vm0, $0xb8;
	[tilespmem:$0x1C400] =	vst v63  }
0x1ae: {  	v4 =	vadd.s32 v2, v4;
	s12 =	simm.s32 $0x15400  }
0x1af: {  	[tilespmem:s12], [sflag:$0x3] =	stream.indirect_vreg.gather [hbm4b:s3+s5], $0x80, v5, vm0, $0xb8;
	[tilespmem:$0x1C400] =	vst v63  }
0x1b0: {  	s12 =	simm.s32 $0x15C00  }
0x1b1: {  	[tilespmem:s12], [sflag:$0x3] =	stream.indirect_vreg.gather [hbm4b:s7+s5], $0x80, v5, vm0, $0xb8;
	[tilespmem:$0x1C400] =	vst v63  }
0x1b2: {  	s12 =	simm.s32 $0x16400  }
0x1b3: {  	[tilespmem:s12], [sflag:$0x3] =	stream.indirect_vreg.gather [hbm4b:s0+s5], $0x80, v4, vm0, $0xb8;
	[tilespmem:$0x1C400] =	vst v63  }
0x1b4: {  	s0 =	simm.s32 $0x16C00  }
0x1b5: {  	[tilespmem:s0], [sflag:$0x3] =	stream.indirect_vreg.gather [hbm4b:s1+s5], $0x80, v4, vm0, $0xb8;
	[tilespmem:$0x1C400] =	vst v63  }
0x1b6: {  	s1 =	simm.s32 $0x17400  }
0x1b7: {  	[tilespmem:s1], [sflag:$0x3] =	stream.indirect_vreg.gather [hbm4b:s3+s5], $0x80, v4, vm0, $0xb8;
	[tilespmem:$0x1C400] =	vst v63  }
0x1b8: {  	s3 =	simm.s32 $0x17C00  }
0x1b9: {  	[tilespmem:s3], [sflag:$0x3] =	stream.indirect_vreg.gather [hbm4b:s7+s5], $0x80, v4, vm0, $0xb8;
	[tilespmem:$0x1C400] =	vst v63  }
0x1ba: {  	s7 =	simm.s32 $0x3  }
0x1bb: {  	_ =	swait.ge [sflag:s7], $0xC000  }
0x1bc: {  	[sflag:s7] =	ssyncset.done $0x0  }
0x1bd: {  	[sflag:s7] =	ssyncadd.s32 $0xFFFF4000  }
0x1be: {  	v4 =	vld [tilespmem:$0x380];
	_ =	sdelay $0x4  }
0x1bf: {  	v5 =	vshll.u32 v4, $0x3  }
0x1c0: {  	v4 =	vand.u32 $0x7, v4;
	v5 =	vand.u32 $0xFFFFFFC0, v5  }
0x1c1: {  	v4 =	vor.u32 v4, v5  }
0x1c2: {  	v5 =	vperm.xlane v4, v1;
	_ =	sdelay $0x1  }
0x1c3: {  	v5 =	vadd.s32 v2, v5;
	_ =	sdelay $0x4  }
0x1c4: {  	[hbm4b:s4+s5] =	stream.indirect_vreg.scatter [tilespmem:s2], [sflag:$0x5], $0x80, v5, vm0, $0xb8;
	[tilespmem:$0x1C400] =	vst v63  }
0x1c5: {  	v4 =	vperm.xlane v4, v3  }
0x1c6: {  	[hbm4b:s15+s5] =	stream.indirect_vreg.scatter [tilespmem:s8], [sflag:$0x5], $0x80, v5, vm0, $0xb8;
	[tilespmem:$0x1C400] =	vst v63  }
0x1c7: {  	v4 =	vadd.s32 v2, v4  }
0x1c8: {  	[hbm4b:s16+s5] =	stream.indirect_vreg.scatter [tilespmem:s9], [sflag:$0x5], $0x80, v5, vm0, $0xb8;
	[tilespmem:$0x1C400] =	vst v63  }
0x1c9: {  	_ = 	snop  }
0x1ca: {  	[hbm4b:s17+s5] =	stream.indirect_vreg.scatter [tilespmem:s10], [sflag:$0x5], $0x80, v5, vm0, $0xb8;
	[tilespmem:$0x1C400] =	vst v63  }
0x1cb: {  	s10 =	simm.s32 $0xE400  }
0x1cc: {  	[hbm4b:s4+s5] =	stream.indirect_vreg.scatter [tilespmem:s10], [sflag:$0x5], $0x80, v4, vm0, $0xb8;
	[tilespmem:$0x1C400] =	vst v63  }
0x1cd: {  	_ = 	snop  }
0x1ce: {  	[hbm4b:s15+s5] =	stream.indirect_vreg.scatter [tilespmem:s13], [sflag:$0x5], $0x80, v4, vm0, $0xb8;
	[tilespmem:$0x1C400] =	vst v63  }
0x1cf: {  	_ = 	snop  }
0x1d0: {  	[hbm4b:s16+s5] =	stream.indirect_vreg.scatter [tilespmem:s14], [sflag:$0x5], $0x80, v4, vm0, $0xb8;
	[tilespmem:$0x1C400] =	vst v63  }
0x1d1: {  	_ = 	snop  }
0x1d2: {  	[hbm4b:s17+s5] =	stream.indirect_vreg.scatter [tilespmem:s18], [sflag:$0x5], $0x80, v4, vm0, $0xb8;
	[tilespmem:$0x1C400] =	vst v63  }
0x1d3: {  	v4 =	vld [tilespmem:$0x390];
	_ =	sdelay $0x4  }
0x1d4: {  	v5 =	vshll.u32 v4, $0x3  }
0x1d5: {  	v4 =	vand.u32 $0x7, v4;
	v5 =	vand.u32 $0xFFFFFFC0, v5  }
0x1d6: {  	v4 =	vor.u32 v4, v5  }
0x1d7: {  	v5 =	vperm.xlane v4, v1;
	_ =	sdelay $0x1  }
0x1d8: {  	v5 =	vadd.s32 v2, v5;
	_ =	sdelay $0x4  }
0x1d9: {  	[hbm4b:s4+s5] =	stream.indirect_vreg.scatter [tilespmem:s20], [sflag:$0x5], $0x80, v5, vm0, $0xb8;
	[tilespmem:$0x1C400] =	vst v63  }
0x1da: {  	v4 =	vperm.xlane v4, v3  }
0x1db: {  	[hbm4b:s15+s5] =	stream.indirect_vreg.scatter [tilespmem:s21], [sflag:$0x5], $0x80, v5, vm0, $0xb8;
	[tilespmem:$0x1C400] =	vst v63  }
0x1dc: {  	v4 =	vadd.s32 v2, v4  }
0x1dd: {  	[hbm4b:s16+s5] =	stream.indirect_vreg.scatter [tilespmem:s22], [sflag:$0x5], $0x80, v5, vm0, $0xb8;
	[tilespmem:$0x1C400] =	vst v63  }
0x1de: {  	_ = 	snop  }
0x1df: {  	[hbm4b:s17+s5] =	stream.indirect_vreg.scatter [tilespmem:s23], [sflag:$0x5], $0x80, v5, vm0, $0xb8;
	[tilespmem:$0x1C400] =	vst v63  }
0x1e0: {  	_ = 	snop  }
0x1e1: {  	[hbm4b:s4+s5] =	stream.indirect_vreg.scatter [tilespmem:s24], [sflag:$0x5], $0x80, v4, vm0, $0xb8;
	[tilespmem:$0x1C400] =	vst v63  }
0x1e2: {  	_ = 	snop  }
0x1e3: {  	[hbm4b:s15+s5] =	stream.indirect_vreg.scatter [tilespmem:s26], [sflag:$0x5], $0x80, v4, vm0, $0xb8;
	[tilespmem:$0x1C400] =	vst v63  }
0x1e4: {  	_ = 	snop  }
0x1e5: {  	[hbm4b:s16+s5] =	stream.indirect_vreg.scatter [tilespmem:s28], [sflag:$0x5], $0x80, v4, vm0, $0xb8;
	[tilespmem:$0x1C400] =	vst v63  }
0x1e6: {  	_ = 	snop  }
0x1e7: {  	[hbm4b:s17+s5] =	stream.indirect_vreg.scatter [tilespmem:s29], [sflag:$0x5], $0x80, v4, vm0, $0xb8;
	[tilespmem:$0x1C400] =	vst v63  }
0x1e8: {  	v4 =	vld [tilespmem:$0x3A0];
	_ =	sdelay $0x4  }
0x1e9: {  	v5 =	vshll.u32 v4, $0x3  }
0x1ea: {  	v4 =	vand.u32 $0x7, v4;
	v5 =	vand.u32 $0xFFFFFFC0, v5  }
0x1eb: {  	v4 =	vor.u32 v4, v5  }
0x1ec: {  	v5 =	vperm.xlane v4, v1;
	_ =	sdelay $0x1  }
0x1ed: {  	v5 =	vadd.s32 v2, v5;
	_ =	sdelay $0x4  }
0x1ee: {  	[hbm4b:s4+s5] =	stream.indirect_vreg.scatter [tilespmem:s31], [sflag:$0x5], $0x80, v5, vm0, $0xb8;
	[tilespmem:$0x1C400] =	vst v63  }
0x1ef: {  	s28 =	simm.s32 $0x14C00;
	v4 =	vperm.xlane v4, v3  }
0x1f0: {  	[hbm4b:s15+s5] =	stream.indirect_vreg.scatter [tilespmem:s28], [sflag:$0x5], $0x80, v5, vm0, $0xb8;
	[tilespmem:$0x1C400] =	vst v63  }
0x1f1: {  	s29 =	simm.s32 $0x15400;
	v4 =	vadd.s32 v2, v4  }
0x1f2: {  	[hbm4b:s16+s5] =	stream.indirect_vreg.scatter [tilespmem:s29], [sflag:$0x5], $0x80, v5, vm0, $0xb8;
	[tilespmem:$0x1C400] =	vst v63  }
0x1f3: {  	s31 =	simm.s32 $0x15C00  }
0x1f4: {  	[hbm4b:s17+s5] =	stream.indirect_vreg.scatter [tilespmem:s31], [sflag:$0x5], $0x80, v5, vm0, $0xb8;
	[tilespmem:$0x1C400] =	vst v63  }
0x1f5: {  	_ = 	snop  }
0x1f6: {  	[hbm4b:s4+s5] =	stream.indirect_vreg.scatter [tilespmem:s12], [sflag:$0x5], $0x80, v4, vm0, $0xb8;
	[tilespmem:$0x1C400] =	vst v63  }
0x1f7: {  	_ = 	snop  }
0x1f8: {  	[hbm4b:s15+s5] =	stream.indirect_vreg.scatter [tilespmem:s0], [sflag:$0x5], $0x80, v4, vm0, $0xb8;
	[tilespmem:$0x1C400] =	vst v63  }
.Ltmp15:
0x1f9: {  	_ = 	snop;
	(pc) =	sbr.rel .LBB2_16-.Ltmp15, $4  }
0x1fa: {  	_ = 	snop  }
0x1fb: {  	[hbm4b:s16+s5] =	stream.indirect_vreg.scatter [tilespmem:s1], [sflag:$0x5], $0x80, v4, vm0, $0xb8;
	[tilespmem:$0x1C400] =	vst v63  }
0x1fc: {  	s1 =	rddreg [dreg:$0x1a]  }
0x1fd: {  	[hbm4b:s17+s5] =	stream.indirect_vreg.scatter [tilespmem:s3], [sflag:$0x5], $0x80, v4, vm0, $0xb8;
	[tilespmem:$0x1C400] =	vst v63  }
.LBB2_22:
0x1fe: {  	s21 =	sadd.s32 $0xFFFFFFFF, s21  }
0x1ff: {  	p0 =	sne.s32 s21, $0x0  }
.Ltmp16:
0x200: {  	_ = 	snop;
	(pc) =	sbr.rel @!p0 .LBB2_23-.Ltmp16, $2  }
0x201: {  	_ =	sdelay $0x2  }
0x202: {  	s6 =	sadd.s32 $0x2, s6;
	s25 =	sadd.s32 $0x60, s25  }
.LBB2_18:
0x203: {  	p1 =	sge.s32 s6, s0  }
.Ltmp17:
0x204: {  	_ = 	snop;
	(pc) =	sbr.rel @p1 .LBB2_20-.Ltmp17, $2  }
0x205: {  	_ =	sdelay $0x2  }
0x206: {  	p0 =	seq.s32 s6, $0x0  }
0x207: {  	s7 =	simm.s32 @!p0 $0x4;
	p1 =	slt.s32 s25, $0x7FD0;
	s8 =	smov.u32 s25  }
0x208: {  	_ =	swait.ge @!p0 [sflag:s7], $0xC000;
	s8 =	simm.s32 @!p1 $0x7FD0  }
0x209: {  	[sflag:s7] =	ssyncset.done @!p0 $0x0;
	s8 =	sshrl.u32 s8, $0x3;
	s13 =	rddreg [dreg:$0x7]  }
0x20a: {  	s3 =	simm.s32 $0x200;
	[sflag:s7] =	ssyncadd.s32 @!p0 $0xFFFF4000;
	s7 =	sadd.s32 s13, s8  }
0x20b: {  	[tilespmem:s3], [sflag:$0x6] =	stream.linear.gather [hbm4b:s7+s5], $0x30, $0x38;
	[tilespmem:$0x1C400] =	vst v63  }
0x20c: {  	_ =	swait.ge [sflag:s19], $0x30  }
0x20d: {  	[sflag:s19] =	ssyncset.done $0x0;
	s14 =	rddreg [dreg:$0x8]  }
0x20e: {  	s18 =	simm.s32 $0x280;
	[sflag:s19] =	ssyncadd.s32 $0xFFFFFFD0;
	s7 =	sadd.s32 s14, s8  }
0x20f: {  	[tilespmem:s18], [sflag:$0x6] =	stream.linear.gather [hbm4b:s7+s5], $0x30, $0x38;
	[tilespmem:$0x1C400] =	vst v63  }
0x210: {  	_ =	swait.ge [sflag:s19], $0x30  }
0x211: {  	[sflag:s19] =	ssyncset.done $0x0  }
0x212: {  	[sflag:s19] =	ssyncadd.s32 $0xFFFFFFD0  }
0x213: {  	v4 =	vld [tilespmem:$0x200];
	_ =	sdelay $0x4  }
0x214: {  	v5 =	vshll.u32 v4, $0x3  }
0x215: {  	v4 =	vand.u32 $0x7, v4;
	v5 =	vand.u32 $0xFFFFFFC0, v5  }
0x216: {  	v4 =	vor.u32 v4, v5  }
0x217: {  	v5 =	vperm.xlane v4, v1;
	_ =	sdelay $0x1  }
0x218: {  	v5 =	vadd.s32 v2, v5;
	_ =	sdelay $0x3  }
0x219: {  	s3 =	simm.s32 $0x400;
	s14 =	rddreg [dreg:$0x1]  }
0x21a: {  	[tilespmem:s3], [sflag:$0x2] =	stream.indirect_vreg.gather [hbm4b:s14+s5], $0x80, v5, vm0, $0xb8;
	[tilespmem:$0x1C400] =	vst v63  }
0x21b: {  	s7 =	simm.s32 $0xC00;
	s18 =	rddreg [dreg:$0x15];
	v4 =	vperm.xlane v4, v3  }
0x21c: {  	[tilespmem:s7], [sflag:$0x2] =	stream.indirect_vreg.gather [hbm4b:s18+s5], $0x80, v5, vm0, $0xb8;
	[tilespmem:$0x1C400] =	vst v63  }
0x21d: {  	s8 =	simm.s32 $0x1400;
	s13 =	rddreg [dreg:$0x14];
	v4 =	vadd.s32 v2, v4  }
0x21e: {  	[tilespmem:s8], [sflag:$0x2] =	stream.indirect_vreg.gather [hbm4b:s13+s5], $0x80, v5, vm0, $0xb8;
	[tilespmem:$0x1C400] =	vst v63  }
0x21f: {  	s22 =	simm.s32 $0x1C00;
	s0 =	rddreg [dreg:$0x16]  }
0x220: {  	[tilespmem:s22], [sflag:$0x2] =	stream.indirect_vreg.gather [hbm4b:s0+s5], $0x80, v5, vm0, $0xb8;
	[tilespmem:$0x1C400] =	vst v63  }
0x221: {  	s23 =	simm.s32 $0x2400  }
0x222: {  	[tilespmem:s23], [sflag:$0x2] =	stream.indirect_vreg.gather [hbm4b:s14+s5], $0x80, v4, vm0, $0xb8;
	[tilespmem:$0x1C400] =	vst v63  }
0x223: {  	s24 =	simm.s32 $0x2C00  }
0x224: {  	[tilespmem:s24], [sflag:$0x2] =	stream.indirect_vreg.gather [hbm4b:s18+s5], $0x80, v4, vm0, $0xb8;
	[tilespmem:$0x1C400] =	vst v63  }
0x225: {  	s26 =	simm.s32 $0x3400  }
0x226: {  	[tilespmem:s26], [sflag:$0x2] =	stream.indirect_vreg.gather [hbm4b:s13+s5], $0x80, v4, vm0, $0xb8;
	[tilespmem:$0x1C400] =	vst v63  }
0x227: {  	s10 =	simm.s32 $0x3C00  }
0x228: {  	[tilespmem:s10], [sflag:$0x2] =	stream.indirect_vreg.gather [hbm4b:s0+s5], $0x80, v4, vm0, $0xb8;
	[tilespmem:$0x1C400] =	vst v63  }
0x229: {  	v4 =	vld [tilespmem:$0x210];
	_ =	sdelay $0x4  }
0x22a: {  	v5 =	vshll.u32 v4, $0x3  }
0x22b: {  	v4 =	vand.u32 $0x7, v4;
	v5 =	vand.u32 $0xFFFFFFC0, v5  }
0x22c: {  	v4 =	vor.u32 v4, v5  }
0x22d: {  	v5 =	vperm.xlane v4, v1;
	_ =	sdelay $0x1  }
0x22e: {  	v5 =	vadd.s32 v2, v5;
	_ =	sdelay $0x3  }
0x22f: {  	s1 =	simm.s32 $0x4400  }
0x230: {  	[tilespmem:s1], [sflag:$0x2] =	stream.indirect_vreg.gather [hbm4b:s14+s5], $0x80, v5, vm0, $0xb8;
	[tilespmem:$0x1C400] =	vst v63  }
0x231: {  	s28 =	simm.s32 $0x4C00;
	v4 =	vperm.xlane v4, v3  }
0x232: {  	[tilespmem:s28], [sflag:$0x2] =	stream.indirect_vreg.gather [hbm4b:s18+s5], $0x80, v5, vm0, $0xb8;
	[tilespmem:$0x1C400] =	vst v63  }
0x233: {  	s20 =	simm.s32 $0x5400;
	v4 =	vadd.s32 v2, v4  }
0x234: {  	[tilespmem:s20], [sflag:$0x2] =	stream.indirect_vreg.gather [hbm4b:s13+s5], $0x80, v5, vm0, $0xb8;
	[tilespmem:$0x1C400] =	vst v63  }
0x235: {  	s12 =	simm.s32 $0x5C00  }
0x236: {  	[tilespmem:s12], [sflag:$0x2] =	stream.indirect_vreg.gather [hbm4b:s0+s5], $0x80, v5, vm0, $0xb8;
	[tilespmem:$0x1C400] =	vst v63  }
0x237: {  	s20 =	simm.s32 $0x6400  }
0x238: {  	[tilespmem:s20], [sflag:$0x2] =	stream.indirect_vreg.gather [hbm4b:s14+s5], $0x80, v4, vm0, $0xb8;
	[tilespmem:$0x1C400] =	vst v63  }
0x239: {  	s29 =	simm.s32 $0x6C00  }
0x23a: {  	[tilespmem:s29], [sflag:$0x2] =	stream.indirect_vreg.gather [hbm4b:s18+s5], $0x80, v4, vm0, $0xb8;
	[tilespmem:$0x1C400] =	vst v63  }
0x23b: {  	s31 =	simm.s32 $0x7400  }
0x23c: {  	[tilespmem:s31], [sflag:$0x2] =	stream.indirect_vreg.gather [hbm4b:s13+s5], $0x80, v4, vm0, $0xb8;
	[tilespmem:$0x1C400] =	vst v63  }
0x23d: {  	s9 =	simm.s32 $0x7C00  }
0x23e: {  	[tilespmem:s9], [sflag:$0x2] =	stream.indirect_vreg.gather [hbm4b:s0+s5], $0x80, v4, vm0, $0xb8;
	[tilespmem:$0x1C400] =	vst v63  }
0x23f: {  	v4 =	vld [tilespmem:$0x220];
	_ =	sdelay $0x4  }
0x240: {  	v5 =	vshll.u32 v4, $0x3  }
0x241: {  	v4 =	vand.u32 $0x7, v4;
	v5 =	vand.u32 $0xFFFFFFC0, v5  }
0x242: {  	v4 =	vor.u32 v4, v5  }
0x243: {  	v5 =	vperm.xlane v4, v1;
	_ =	sdelay $0x1  }
0x244: {  	v5 =	vadd.s32 v2, v5;
	_ =	sdelay $0x3  }
0x245: {  	s11 =	simm.s32 $0x8400  }
0x246: {  	[tilespmem:s11], [sflag:$0x2] =	stream.indirect_vreg.gather [hbm4b:s14+s5], $0x80, v5, vm0, $0xb8;
	[tilespmem:$0x1C400] =	vst v63  }
0x247: {  	s2 =	simm.s32 $0x8C00;
	v4 =	vperm.xlane v4, v3  }
0x248: {  	[tilespmem:s2], [sflag:$0x2] =	stream.indirect_vreg.gather [hbm4b:s18+s5], $0x80, v5, vm0, $0xb8;
	[tilespmem:$0x1C400] =	vst v63  }
0x249: {  	s1 =	simm.s32 $0x9400;
	v4 =	vadd.s32 v2, v4  }
0x24a: {  	[tilespmem:s1], [sflag:$0x2] =	stream.indirect_vreg.gather [hbm4b:s13+s5], $0x80, v5, vm0, $0xb8;
	[tilespmem:$0x1C400] =	vst v63  }
0x24b: {  	s1 =	simm.s32 $0x9C00  }
0x24c: {  	[tilespmem:s1], [sflag:$0x2] =	stream.indirect_vreg.gather [hbm4b:s0+s5], $0x80, v5, vm0, $0xb8;
	[tilespmem:$0x1C400] =	vst v63  }
0x24d: {  	s1 =	simm.s32 $0xA400  }
0x24e: {  	[tilespmem:s1], [sflag:$0x2] =	stream.indirect_vreg.gather [hbm4b:s14+s5], $0x80, v4, vm0, $0xb8;
	[tilespmem:$0x1C400] =	vst v63  }
0x24f: {  	s14 =	simm.s32 $0xAC00  }
0x250: {  	[tilespmem:s14], [sflag:$0x2] =	stream.indirect_vreg.gather [hbm4b:s18+s5], $0x80, v4, vm0, $0xb8;
	[tilespmem:$0x1C400] =	vst v63  }
0x251: {  	s18 =	simm.s32 $0xB400  }
0x252: {  	[tilespmem:s18], [sflag:$0x2] =	stream.indirect_vreg.gather [hbm4b:s13+s5], $0x80, v4, vm0, $0xb8;
	[tilespmem:$0x1C400] =	vst v63  }
0x253: {  	s13 =	simm.s32 $0xBC00  }
0x254: {  	[tilespmem:s13], [sflag:$0x2] =	stream.indirect_vreg.gather [hbm4b:s0+s5], $0x80, v4, vm0, $0xb8;
	[tilespmem:$0x1C400] =	vst v63  }
0x255: {  	s0 =	simm.s32 $0x2  }
0x256: {  	_ =	swait.ge [sflag:s0], $0xC000  }
0x257: {  	[sflag:s0] =	ssyncset.done $0x0  }
0x258: {  	[sflag:s0] =	ssyncadd.s32 $0xFFFF4000  }
0x259: {  	v4 =	vld [tilespmem:$0x280];
	_ =	sdelay $0x4  }
0x25a: {  	v5 =	vshll.u32 v4, $0x3  }
0x25b: {  	v4 =	vand.u32 $0x7, v4;
	v5 =	vand.u32 $0xFFFFFFC0, v5  }
0x25c: {  	v4 =	vor.u32 v4, v5  }
0x25d: {  	v5 =	vperm.xlane v4, v1;
	_ =	sdelay $0x1  }
0x25e: {  	v5 =	vadd.s32 v2, v5;
	_ =	sdelay $0x4  }
0x25f: {  	[hbm4b:s4+s5] =	stream.indirect_vreg.scatter [tilespmem:s3], [sflag:$0x4], $0x80, v5, vm0, $0xb8;
	[tilespmem:$0x1C400] =	vst v63  }
0x260: {  	v4 =	vperm.xlane v4, v3  }
0x261: {  	[hbm4b:s15+s5] =	stream.indirect_vreg.scatter [tilespmem:s7], [sflag:$0x4], $0x80, v5, vm0, $0xb8;
	[tilespmem:$0x1C400] =	vst v63  }
0x262: {  	v4 =	vadd.s32 v2, v4  }
0x263: {  	[hbm4b:s16+s5] =	stream.indirect_vreg.scatter [tilespmem:s8], [sflag:$0x4], $0x80, v5, vm0, $0xb8;
	[tilespmem:$0x1C400] =	vst v63  }
0x264: {  	_ = 	snop  }
0x265: {  	[hbm4b:s17+s5] =	stream.indirect_vreg.scatter [tilespmem:s22], [sflag:$0x4], $0x80, v5, vm0, $0xb8;
	[tilespmem:$0x1C400] =	vst v63  }
0x266: {  	_ = 	snop  }
0x267: {  	[hbm4b:s4+s5] =	stream.indirect_vreg.scatter [tilespmem:s23], [sflag:$0x4], $0x80, v4, vm0, $0xb8;
	[tilespmem:$0x1C400] =	vst v63  }
0x268: {  	_ = 	snop  }
0x269: {  	[hbm4b:s15+s5] =	stream.indirect_vreg.scatter [tilespmem:s24], [sflag:$0x4], $0x80, v4, vm0, $0xb8;
	[tilespmem:$0x1C400] =	vst v63  }
0x26a: {  	_ = 	snop  }
0x26b: {  	[hbm4b:s16+s5] =	stream.indirect_vreg.scatter [tilespmem:s26], [sflag:$0x4], $0x80, v4, vm0, $0xb8;
	[tilespmem:$0x1C400] =	vst v63  }
0x26c: {  	_ = 	snop  }
0x26d: {  	[hbm4b:s17+s5] =	stream.indirect_vreg.scatter [tilespmem:s10], [sflag:$0x4], $0x80, v4, vm0, $0xb8;
	[tilespmem:$0x1C400] =	vst v63  }
0x26e: {  	v4 =	vld [tilespmem:$0x290];
	_ =	sdelay $0x4  }
0x26f: {  	v5 =	vshll.u32 v4, $0x3  }
0x270: {  	v4 =	vand.u32 $0x7, v4;
	v5 =	vand.u32 $0xFFFFFFC0, v5  }
0x271: {  	v4 =	vor.u32 v4, v5  }
0x272: {  	v5 =	vperm.xlane v4, v1;
	_ =	sdelay $0x1  }
0x273: {  	v5 =	vadd.s32 v2, v5;
	_ =	sdelay $0x3  }
0x274: {  	s26 =	simm.s32 $0x4400  }
0x275: {  	[hbm4b:s4+s5] =	stream.indirect_vreg.scatter [tilespmem:s26], [sflag:$0x4], $0x80, v5, vm0, $0xb8;
	[tilespmem:$0x1C400] =	vst v63  }
0x276: {  	v4 =	vperm.xlane v4, v3  }
0x277: {  	[hbm4b:s15+s5] =	stream.indirect_vreg.scatter [tilespmem:s28], [sflag:$0x4], $0x80, v5, vm0, $0xb8;
	[tilespmem:$0x1C400] =	vst v63  }
0x278: {  	v4 =	vadd.s32 v2, v4;
	s28 =	simm.s32 $0x5400  }
0x279: {  	[hbm4b:s16+s5] =	stream.indirect_vreg.scatter [tilespmem:s28], [sflag:$0x4], $0x80, v5, vm0, $0xb8;
	[tilespmem:$0x1C400] =	vst v63  }
0x27a: {  	_ = 	snop  }
0x27b: {  	[hbm4b:s17+s5] =	stream.indirect_vreg.scatter [tilespmem:s12], [sflag:$0x4], $0x80, v5, vm0, $0xb8;
	[tilespmem:$0x1C400] =	vst v63  }
0x27c: {  	_ = 	snop  }
0x27d: {  	[hbm4b:s4+s5] =	stream.indirect_vreg.scatter [tilespmem:s20], [sflag:$0x4], $0x80, v4, vm0, $0xb8;
	[tilespmem:$0x1C400] =	vst v63  }
0x27e: {  	_ = 	snop  }
0x27f: {  	[hbm4b:s15+s5] =	stream.indirect_vreg.scatter [tilespmem:s29], [sflag:$0x4], $0x80, v4, vm0, $0xb8;
	[tilespmem:$0x1C400] =	vst v63  }
0x280: {  	_ = 	snop  }
0x281: {  	[hbm4b:s16+s5] =	stream.indirect_vreg.scatter [tilespmem:s31], [sflag:$0x4], $0x80, v4, vm0, $0xb8;
	[tilespmem:$0x1C400] =	vst v63  }
0x282: {  	_ = 	snop  }
0x283: {  	[hbm4b:s17+s5] =	stream.indirect_vreg.scatter [tilespmem:s9], [sflag:$0x4], $0x80, v4, vm0, $0xb8;
	[tilespmem:$0x1C400] =	vst v63  }
0x284: {  	v4 =	vld [tilespmem:$0x2A0];
	_ =	sdelay $0x4  }
0x285: {  	v5 =	vshll.u32 v4, $0x3  }
0x286: {  	v4 =	vand.u32 $0x7, v4;
	v5 =	vand.u32 $0xFFFFFFC0, v5  }
0x287: {  	v4 =	vor.u32 v4, v5  }
0x288: {  	v5 =	vperm.xlane v4, v1;
	_ =	sdelay $0x1  }
0x289: {  	v5 =	vadd.s32 v2, v5;
	_ =	sdelay $0x4  }
0x28a: {  	[hbm4b:s4+s5] =	stream.indirect_vreg.scatter [tilespmem:s11], [sflag:$0x4], $0x80, v5, vm0, $0xb8;
	[tilespmem:$0x1C400] =	vst v63  }
0x28b: {  	v4 =	vperm.xlane v4, v3  }
0x28c: {  	[hbm4b:s15+s5] =	stream.indirect_vreg.scatter [tilespmem:s2], [sflag:$0x4], $0x80, v5, vm0, $0xb8;
	[tilespmem:$0x1C400] =	vst v63  }
0x28d: {  	s29 =	simm.s32 $0x9400;
	v4 =	vadd.s32 v2, v4  }
0x28e: {  	[hbm4b:s16+s5] =	stream.indirect_vreg.scatter [tilespmem:s29], [sflag:$0x4], $0x80, v5, vm0, $0xb8;
	[tilespmem:$0x1C400] =	vst v63  }
0x28f: {  	s31 =	simm.s32 $0x9C00  }
0x290: {  	[hbm4b:s17+s5] =	stream.indirect_vreg.scatter [tilespmem:s31], [sflag:$0x4], $0x80, v5, vm0, $0xb8;
	[tilespmem:$0x1C400] =	vst v63  }
0x291: {  	_ = 	snop  }
0x292: {  	[hbm4b:s4+s5] =	stream.indirect_vreg.scatter [tilespmem:s1], [sflag:$0x4], $0x80, v4, vm0, $0xb8;
	[tilespmem:$0x1C400] =	vst v63  }
0x293: {  	_ = 	snop  }
0x294: {  	[hbm4b:s15+s5] =	stream.indirect_vreg.scatter [tilespmem:s14], [sflag:$0x4], $0x80, v4, vm0, $0xb8;
	[tilespmem:$0x1C400] =	vst v63  }
0x295: {  	_ = 	snop  }
0x296: {  	[hbm4b:s16+s5] =	stream.indirect_vreg.scatter [tilespmem:s18], [sflag:$0x4], $0x80, v4, vm0, $0xb8;
	[tilespmem:$0x1C400] =	vst v63  }
0x297: {  	s0 =	rddreg [dreg:$0x1b]  }
0x298: {  	[hbm4b:s17+s5] =	stream.indirect_vreg.scatter [tilespmem:s13], [sflag:$0x4], $0x80, v4, vm0, $0xb8;
	[tilespmem:$0x1C400] =	vst v63  }
.LBB2_20:
0x299: {  	s7 =	sadd.s32 $0x1, s6  }
0x29a: {  	p1 =	sge.s32 s7, s0  }
.Ltmp18:
0x29b: {  	_ = 	snop;
	(pc) =	sbr.rel @p1 .LBB2_22-.Ltmp18, $1  }
0x29c: {  	_ =	sdelay $0x3  }
0x29d: {  	s7 =	sadd.s32 $0x30, s25  }
0x29e: {  	s8 =	simm.s32 @!p0 $0x5;
	p1 =	slt.s32 s7, $0x7FD0  }
0x29f: {  	_ =	swait.ge @!p0 [sflag:s8], $0xC000;
	s7 =	simm.s32 @!p1 $0x7FD0  }
0x2a0: {  	[sflag:s8] =	ssyncset.done @!p0 $0x0;
	s2 =	rddreg [dreg:$0x7];
	s7 =	sshrl.u32 s7, $0x3  }
0x2a1: {  	s0 =	simm.s32 $0x300;
	[sflag:s8] =	ssyncadd.s32 @!p0 $0xFFFF4000;
	s8 =	sadd.s32 s2, s7  }
0x2a2: {  	[tilespmem:s0], [sflag:$0x6] =	stream.linear.gather [hbm4b:s8+s5], $0x30, $0x38;
	[tilespmem:$0x1C400] =	vst v63  }
0x2a3: {  	_ =	swait.ge [sflag:s19], $0x30  }
0x2a4: {  	[sflag:s19] =	ssyncset.done $0x0;
	s3 =	rddreg [dreg:$0x8]  }
0x2a5: {  	s9 =	simm.s32 $0x380;
	[sflag:s19] =	ssyncadd.s32 $0xFFFFFFD0;
	s7 =	sadd.s32 s3, s7  }
0x2a6: {  	[tilespmem:s9], [sflag:$0x6] =	stream.linear.gather [hbm4b:s7+s5], $0x30, $0x38;
	[tilespmem:$0x1C400] =	vst v63  }
0x2a7: {  	_ =	swait.ge [sflag:s19], $0x30  }
0x2a8: {  	[sflag:s19] =	ssyncset.done $0x0  }
0x2a9: {  	[sflag:s19] =	ssyncadd.s32 $0xFFFFFFD0  }
0x2aa: {  	v4 =	vld [tilespmem:$0x300];
	_ =	sdelay $0x4  }
0x2ab: {  	v5 =	vshll.u32 v4, $0x3  }
0x2ac: {  	v4 =	vand.u32 $0x7, v4;
	v5 =	vand.u32 $0xFFFFFFC0, v5  }
0x2ad: {  	v4 =	vor.u32 v4, v5  }
0x2ae: {  	v5 =	vperm.xlane v4, v1;
	_ =	sdelay $0x1  }
0x2af: {  	v5 =	vadd.s32 v2, v5;
	_ =	sdelay $0x3  }
0x2b0: {  	s7 =	simm.s32 $0xC400;
	s0 =	rddreg [dreg:$0x1]  }
0x2b1: {  	[tilespmem:s7], [sflag:$0x3] =	stream.indirect_vreg.gather [hbm4b:s0+s5], $0x80, v5, vm0, $0xb8;
	[tilespmem:$0x1C400] =	vst v63  }
0x2b2: {  	s8 =	simm.s32 $0xCC00;
	s1 =	rddreg [dreg:$0x15];
	v4 =	vperm.xlane v4, v3  }
0x2b3: {  	[tilespmem:s8], [sflag:$0x3] =	stream.indirect_vreg.gather [hbm4b:s1+s5], $0x80, v5, vm0, $0xb8;
	[tilespmem:$0x1C400] =	vst v63  }
0x2b4: {  	s9 =	simm.s32 $0xD400;
	s2 =	rddreg [dreg:$0x14];
	v4 =	vadd.s32 v2, v4  }
0x2b5: {  	[tilespmem:s9], [sflag:$0x3] =	stream.indirect_vreg.gather [hbm4b:s2+s5], $0x80, v5, vm0, $0xb8;
	[tilespmem:$0x1C400] =	vst v63  }
0x2b6: {  	s10 =	simm.s32 $0xDC00;
	s3 =	rddreg [dreg:$0x16]  }
0x2b7: {  	[tilespmem:s10], [sflag:$0x3] =	stream.indirect_vreg.gather [hbm4b:s3+s5], $0x80, v5, vm0, $0xb8;
	[tilespmem:$0x1C400] =	vst v63  }
0x2b8: {  	s11 =	simm.s32 $0xE400  }
0x2b9: {  	[tilespmem:s11], [sflag:$0x3] =	stream.indirect_vreg.gather [hbm4b:s0+s5], $0x80, v4, vm0, $0xb8;
	[tilespmem:$0x1C400] =	vst v63  }
0x2ba: {  	s12 =	simm.s32 $0xEC00  }
0x2bb: {  	[tilespmem:s12], [sflag:$0x3] =	stream.indirect_vreg.gather [hbm4b:s1+s5], $0x80, v4, vm0, $0xb8;
	[tilespmem:$0x1C400] =	vst v63  }
0x2bc: {  	s13 =	simm.s32 $0xF400  }
0x2bd: {  	[tilespmem:s13], [sflag:$0x3] =	stream.indirect_vreg.gather [hbm4b:s2+s5], $0x80, v4, vm0, $0xb8;
	[tilespmem:$0x1C400] =	vst v63  }
0x2be: {  	s14 =	simm.s32 $0xFC00  }
0x2bf: {  	[tilespmem:s14], [sflag:$0x3] =	stream.indirect_vreg.gather [hbm4b:s3+s5], $0x80, v4, vm0, $0xb8;
	[tilespmem:$0x1C400] =	vst v63  }
0x2c0: {  	v4 =	vld [tilespmem:$0x310];
	_ =	sdelay $0x4  }
0x2c1: {  	v5 =	vshll.u32 v4, $0x3  }
0x2c2: {  	v4 =	vand.u32 $0x7, v4;
	v5 =	vand.u32 $0xFFFFFFC0, v5  }
0x2c3: {  	v4 =	vor.u32 v4, v5  }
0x2c4: {  	v5 =	vperm.xlane v4, v1;
	_ =	sdelay $0x1  }
0x2c5: {  	v5 =	vadd.s32 v2, v5;
	_ =	sdelay $0x3  }
0x2c6: {  	s18 =	simm.s32 $0x10400  }
0x2c7: {  	[tilespmem:s18], [sflag:$0x3] =	stream.indirect_vreg.gather [hbm4b:s0+s5], $0x80, v5, vm0, $0xb8;
	[tilespmem:$0x1C400] =	vst v63  }
0x2c8: {  	s20 =	simm.s32 $0x10C00;
	v4 =	vperm.xlane v4, v3  }
0x2c9: {  	[tilespmem:s20], [sflag:$0x3] =	stream.indirect_vreg.gather [hbm4b:s1+s5], $0x80, v5, vm0, $0xb8;
	[tilespmem:$0x1C400] =	vst v63  }
0x2ca: {  	s22 =	simm.s32 $0x11400;
	v4 =	vadd.s32 v2, v4  }
0x2cb: {  	[tilespmem:s22], [sflag:$0x3] =	stream.indirect_vreg.gather [hbm4b:s2+s5], $0x80, v5, vm0, $0xb8;
	[tilespmem:$0x1C400] =	vst v63  }
0x2cc: {  	s23 =	simm.s32 $0x11C00  }
0x2cd: {  	[tilespmem:s23], [sflag:$0x3] =	stream.indirect_vreg.gather [hbm4b:s3+s5], $0x80, v5, vm0, $0xb8;
	[tilespmem:$0x1C400] =	vst v63  }
0x2ce: {  	s24 =	simm.s32 $0x12400  }
0x2cf: {  	[tilespmem:s24], [sflag:$0x3] =	stream.indirect_vreg.gather [hbm4b:s0+s5], $0x80, v4, vm0, $0xb8;
	[tilespmem:$0x1C400] =	vst v63  }
0x2d0: {  	s26 =	simm.s32 $0x12C00  }
0x2d1: {  	[tilespmem:s26], [sflag:$0x3] =	stream.indirect_vreg.gather [hbm4b:s1+s5], $0x80, v4, vm0, $0xb8;
	[tilespmem:$0x1C400] =	vst v63  }
0x2d2: {  	s28 =	simm.s32 $0x13400  }
0x2d3: {  	[tilespmem:s28], [sflag:$0x3] =	stream.indirect_vreg.gather [hbm4b:s2+s5], $0x80, v4, vm0, $0xb8;
	[tilespmem:$0x1C400] =	vst v63  }
0x2d4: {  	s29 =	simm.s32 $0x13C00  }
0x2d5: {  	[tilespmem:s29], [sflag:$0x3] =	stream.indirect_vreg.gather [hbm4b:s3+s5], $0x80, v4, vm0, $0xb8;
	[tilespmem:$0x1C400] =	vst v63  }
0x2d6: {  	v4 =	vld [tilespmem:$0x320];
	_ =	sdelay $0x4  }
0x2d7: {  	v5 =	vshll.u32 v4, $0x3  }
0x2d8: {  	v4 =	vand.u32 $0x7, v4;
	v5 =	vand.u32 $0xFFFFFFC0, v5  }
0x2d9: {  	v4 =	vor.u32 v4, v5  }
0x2da: {  	v5 =	vperm.xlane v4, v1;
	_ =	sdelay $0x1  }
0x2db: {  	v5 =	vadd.s32 v2, v5;
	_ =	sdelay $0x3  }
0x2dc: {  	s31 =	simm.s32 $0x14400  }
0x2dd: {  	[tilespmem:s31], [sflag:$0x3] =	stream.indirect_vreg.gather [hbm4b:s0+s5], $0x80, v5, vm0, $0xb8;
	[tilespmem:$0x1C400] =	vst v63  }
0x2de: {  	s11 =	simm.s32 $0x14C00;
	v4 =	vperm.xlane v4, v3  }
0x2df: {  	[tilespmem:s11], [sflag:$0x3] =	stream.indirect_vreg.gather [hbm4b:s1+s5], $0x80, v5, vm0, $0xb8;
	[tilespmem:$0x1C400] =	vst v63  }
0x2e0: {  	v4 =	vadd.s32 v2, v4;
	s11 =	simm.s32 $0x15400  }
0x2e1: {  	[tilespmem:s11], [sflag:$0x3] =	stream.indirect_vreg.gather [hbm4b:s2+s5], $0x80, v5, vm0, $0xb8;
	[tilespmem:$0x1C400] =	vst v63  }
0x2e2: {  	s11 =	simm.s32 $0x15C00  }
0x2e3: {  	[tilespmem:s11], [sflag:$0x3] =	stream.indirect_vreg.gather [hbm4b:s3+s5], $0x80, v5, vm0, $0xb8;
	[tilespmem:$0x1C400] =	vst v63  }
0x2e4: {  	s11 =	simm.s32 $0x16400  }
0x2e5: {  	[tilespmem:s11], [sflag:$0x3] =	stream.indirect_vreg.gather [hbm4b:s0+s5], $0x80, v4, vm0, $0xb8;
	[tilespmem:$0x1C400] =	vst v63  }
0x2e6: {  	s0 =	simm.s32 $0x16C00  }
0x2e7: {  	[tilespmem:s0], [sflag:$0x3] =	stream.indirect_vreg.gather [hbm4b:s1+s5], $0x80, v4, vm0, $0xb8;
	[tilespmem:$0x1C400] =	vst v63  }
0x2e8: {  	s1 =	simm.s32 $0x17400  }
0x2e9: {  	[tilespmem:s1], [sflag:$0x3] =	stream.indirect_vreg.gather [hbm4b:s2+s5], $0x80, v4, vm0, $0xb8;
	[tilespmem:$0x1C400] =	vst v63  }
0x2ea: {  	s2 =	simm.s32 $0x17C00  }
0x2eb: {  	[tilespmem:s2], [sflag:$0x3] =	stream.indirect_vreg.gather [hbm4b:s3+s5], $0x80, v4, vm0, $0xb8;
	[tilespmem:$0x1C400] =	vst v63  }
0x2ec: {  	s3 =	simm.s32 $0x3  }
0x2ed: {  	_ =	swait.ge [sflag:s3], $0xC000  }
0x2ee: {  	[sflag:s3] =	ssyncset.done $0x0  }
0x2ef: {  	[sflag:s3] =	ssyncadd.s32 $0xFFFF4000  }
0x2f0: {  	v4 =	vld [tilespmem:$0x380];
	_ =	sdelay $0x4  }
0x2f1: {  	v5 =	vshll.u32 v4, $0x3  }
0x2f2: {  	v4 =	vand.u32 $0x7, v4;
	v5 =	vand.u32 $0xFFFFFFC0, v5  }
0x2f3: {  	v4 =	vor.u32 v4, v5  }
0x2f4: {  	v5 =	vperm.xlane v4, v1;
	_ =	sdelay $0x1  }
0x2f5: {  	v5 =	vadd.s32 v2, v5;
	_ =	sdelay $0x4  }
0x2f6: {  	[hbm4b:s4+s5] =	stream.indirect_vreg.scatter [tilespmem:s7], [sflag:$0x5], $0x80, v5, vm0, $0xb8;
	[tilespmem:$0x1C400] =	vst v63  }
0x2f7: {  	v4 =	vperm.xlane v4, v3  }
0x2f8: {  	[hbm4b:s15+s5] =	stream.indirect_vreg.scatter [tilespmem:s8], [sflag:$0x5], $0x80, v5, vm0, $0xb8;
	[tilespmem:$0x1C400] =	vst v63  }
0x2f9: {  	v4 =	vadd.s32 v2, v4  }
0x2fa: {  	[hbm4b:s16+s5] =	stream.indirect_vreg.scatter [tilespmem:s9], [sflag:$0x5], $0x80, v5, vm0, $0xb8;
	[tilespmem:$0x1C400] =	vst v63  }
0x2fb: {  	_ = 	snop  }
0x2fc: {  	[hbm4b:s17+s5] =	stream.indirect_vreg.scatter [tilespmem:s10], [sflag:$0x5], $0x80, v5, vm0, $0xb8;
	[tilespmem:$0x1C400] =	vst v63  }
0x2fd: {  	s10 =	simm.s32 $0xE400  }
0x2fe: {  	[hbm4b:s4+s5] =	stream.indirect_vreg.scatter [tilespmem:s10], [sflag:$0x5], $0x80, v4, vm0, $0xb8;
	[tilespmem:$0x1C400] =	vst v63  }
0x2ff: {  	_ = 	snop  }
0x300: {  	[hbm4b:s15+s5] =	stream.indirect_vreg.scatter [tilespmem:s12], [sflag:$0x5], $0x80, v4, vm0, $0xb8;
	[tilespmem:$0x1C400] =	vst v63  }
0x301: {  	_ = 	snop  }
0x302: {  	[hbm4b:s16+s5] =	stream.indirect_vreg.scatter [tilespmem:s13], [sflag:$0x5], $0x80, v4, vm0, $0xb8;
	[tilespmem:$0x1C400] =	vst v63  }
0x303: {  	_ = 	snop  }
0x304: {  	[hbm4b:s17+s5] =	stream.indirect_vreg.scatter [tilespmem:s14], [sflag:$0x5], $0x80, v4, vm0, $0xb8;
	[tilespmem:$0x1C400] =	vst v63  }
0x305: {  	v4 =	vld [tilespmem:$0x390];
	_ =	sdelay $0x4  }
0x306: {  	v5 =	vshll.u32 v4, $0x3  }
0x307: {  	v4 =	vand.u32 $0x7, v4;
	v5 =	vand.u32 $0xFFFFFFC0, v5  }
0x308: {  	v4 =	vor.u32 v4, v5  }
0x309: {  	v5 =	vperm.xlane v4, v1;
	_ =	sdelay $0x1  }
0x30a: {  	v5 =	vadd.s32 v2, v5;
	_ =	sdelay $0x4  }
0x30b: {  	[hbm4b:s4+s5] =	stream.indirect_vreg.scatter [tilespmem:s18], [sflag:$0x5], $0x80, v5, vm0, $0xb8;
	[tilespmem:$0x1C400] =	vst v63  }
0x30c: {  	v4 =	vperm.xlane v4, v3  }
0x30d: {  	[hbm4b:s15+s5] =	stream.indirect_vreg.scatter [tilespmem:s20], [sflag:$0x5], $0x80, v5, vm0, $0xb8;
	[tilespmem:$0x1C400] =	vst v63  }
0x30e: {  	v4 =	vadd.s32 v2, v4  }
0x30f: {  	[hbm4b:s16+s5] =	stream.indirect_vreg.scatter [tilespmem:s22], [sflag:$0x5], $0x80, v5, vm0, $0xb8;
	[tilespmem:$0x1C400] =	vst v63  }
0x310: {  	_ = 	snop  }
0x311: {  	[hbm4b:s17+s5] =	stream.indirect_vreg.scatter [tilespmem:s23], [sflag:$0x5], $0x80, v5, vm0, $0xb8;
	[tilespmem:$0x1C400] =	vst v63  }
0x312: {  	_ = 	snop  }
0x313: {  	[hbm4b:s4+s5] =	stream.indirect_vreg.scatter [tilespmem:s24], [sflag:$0x5], $0x80, v4, vm0, $0xb8;
	[tilespmem:$0x1C400] =	vst v63  }
0x314: {  	_ = 	snop  }
0x315: {  	[hbm4b:s15+s5] =	stream.indirect_vreg.scatter [tilespmem:s26], [sflag:$0x5], $0x80, v4, vm0, $0xb8;
	[tilespmem:$0x1C400] =	vst v63  }
0x316: {  	_ = 	snop  }
0x317: {  	[hbm4b:s16+s5] =	stream.indirect_vreg.scatter [tilespmem:s28], [sflag:$0x5], $0x80, v4, vm0, $0xb8;
	[tilespmem:$0x1C400] =	vst v63  }
0x318: {  	_ = 	snop  }
0x319: {  	[hbm4b:s17+s5] =	stream.indirect_vreg.scatter [tilespmem:s29], [sflag:$0x5], $0x80, v4, vm0, $0xb8;
	[tilespmem:$0x1C400] =	vst v63  }
0x31a: {  	v4 =	vld [tilespmem:$0x3A0];
	_ =	sdelay $0x4  }
0x31b: {  	v5 =	vshll.u32 v4, $0x3  }
0x31c: {  	v4 =	vand.u32 $0x7, v4;
	v5 =	vand.u32 $0xFFFFFFC0, v5  }
0x31d: {  	v4 =	vor.u32 v4, v5  }
0x31e: {  	v5 =	vperm.xlane v4, v1;
	_ =	sdelay $0x1  }
0x31f: {  	v5 =	vadd.s32 v2, v5;
	_ =	sdelay $0x4  }
0x320: {  	[hbm4b:s4+s5] =	stream.indirect_vreg.scatter [tilespmem:s31], [sflag:$0x5], $0x80, v5, vm0, $0xb8;
	[tilespmem:$0x1C400] =	vst v63  }
0x321: {  	s28 =	simm.s32 $0x14C00;
	v4 =	vperm.xlane v4, v3  }
0x322: {  	[hbm4b:s15+s5] =	stream.indirect_vreg.scatter [tilespmem:s28], [sflag:$0x5], $0x80, v5, vm0, $0xb8;
	[tilespmem:$0x1C400] =	vst v63  }
0x323: {  	s29 =	simm.s32 $0x15400;
	v4 =	vadd.s32 v2, v4  }
0x324: {  	[hbm4b:s16+s5] =	stream.indirect_vreg.scatter [tilespmem:s29], [sflag:$0x5], $0x80, v5, vm0, $0xb8;
	[tilespmem:$0x1C400] =	vst v63  }
0x325: {  	s31 =	simm.s32 $0x15C00  }
0x326: {  	[hbm4b:s17+s5] =	stream.indirect_vreg.scatter [tilespmem:s31], [sflag:$0x5], $0x80, v5, vm0, $0xb8;
	[tilespmem:$0x1C400] =	vst v63  }
0x327: {  	_ = 	snop  }
0x328: {  	[hbm4b:s4+s5] =	stream.indirect_vreg.scatter [tilespmem:s11], [sflag:$0x5], $0x80, v4, vm0, $0xb8;
	[tilespmem:$0x1C400] =	vst v63  }
0x329: {  	_ = 	snop  }
0x32a: {  	[hbm4b:s15+s5] =	stream.indirect_vreg.scatter [tilespmem:s0], [sflag:$0x5], $0x80, v4, vm0, $0xb8;
	[tilespmem:$0x1C400] =	vst v63  }
.Ltmp19:
0x32b: {  	_ = 	snop;
	(pc) =	sbr.rel .LBB2_22-.Ltmp19, $4  }
0x32c: {  	_ = 	snop  }
0x32d: {  	[hbm4b:s16+s5] =	stream.indirect_vreg.scatter [tilespmem:s1], [sflag:$0x5], $0x80, v4, vm0, $0xb8;
	[tilespmem:$0x1C400] =	vst v63  }
0x32e: {  	s0 =	rddreg [dreg:$0x1b]  }
0x32f: {  	[hbm4b:s17+s5] =	stream.indirect_vreg.scatter [tilespmem:s2], [sflag:$0x5], $0x80, v4, vm0, $0xb8;
	[tilespmem:$0x1C400] =	vst v63  }
.LBB2_24:
0x330: {  	_ =	sfence.sel $0x180000  }
0x331: {  	[bflag:$0x0] =	sbarrier.arrive $0xFFFF  }
0x332: {  	_ =	strace $0x90000047  }
0x333: {  	s0 =	stileid.u32;
	[bflag:$0x2] =	sbarrier.arrive $0xFFFF  }
0x334: {  	p0 =	sne.s32 s0, $0x0;
	s0 =	rddreg [dreg:$0x4]  }
0x335: {  	s0 =	sadd.s32 @!p0 $0x100000, s0  }
0x336: {  	[sflag:s0] =	ssyncadd.tile.s32 @!p0 $0x1;
	_ =	shalt  }
.Lfunc_end2:
_tile_overlayer_lowered:
.L_overlay_start_2:
0x337: {  	(tag) =	ssettag $0x2  }
0x338: {  	s0 =	rddreg [dreg:$0x0];
	s2 =	stileid.u32  }
0x339: {  	s1 =	rddreg [dreg:$0x1];
	p0 =	sne.s32 s2, $0x0  }
0x33a: {  	s3 =	rddreg [dreg:$0x2];
	[bflag:$0x3] =	sbarrier.arrive $0xFFFF;
	s2 =	simm.s32 @!p0 $0x1C06  }
0x33b: {  	[timem:s3], [sflag:s2] =	dma.local @!p0 [hbm:s0], s1  }
0x33c: {  	s0 =	simm.s32 @!p0 $0x6  }
0x33d: {  	_ =	swait.ge @!p0 [sflag:s0], s1  }
0x33e: {  	s1 =	ssub.s32 @!p0 $0x0, s1;
	[sflag:s0] =	ssyncset.done @!p0 $0x0  }
0x33f: {  	[sflag:s0] =	ssyncadd.s32 @!p0 s1  }
0x340: {  	[bflag:$0x3] =	sbarrier.arrive $0xFFFF  }
0x341: {  	_ =	shalt  }

</sc_bundles>
